<compile_context>
chip_gen: v7x
topology: tpu7x:2x2x1
jax: 0.10.2.dev20260603
libtpu: 0.0.44.dev20260713+nightly
codegen_flags: <defaults>
</compile_context>

<pallas_src>
import jax
import jax.numpy as jnp
from jax import lax
from jax.experimental import pallas as pl
from jax.experimental.pallas import tpu as pltpu
from jax.experimental.pallas import tpu_sc as plsc

D = 64
B0, B1 = 4096, 200
NW = 32
PER_W = B0 // NW * B1
UNIT = 256
N_UNITS = PER_W // UNIT
NSLOT = 4

_mesh = plsc.VectorSubcoreMesh(core_axis_name="core", subcore_axis_name="subcore")


def _flatten_idx(xT):

    @pl.kernel(
        out_type=jax.ShapeDtypeStruct((B0 * B1,), jnp.int32),
        mesh=_mesh,
        compiler_params=pltpu.CompilerParams(needs_layout_passes=False),
        scratch_types=[
            pltpu.VMEM((B1, 128), jnp.int32),
            pltpu.VMEM((PER_W,), jnp.int32),
        ],
    )
    def k(xt, xfl, xtb, xfb):
        w = lax.axis_index("subcore") * 2 + lax.axis_index("core")
        iota = lax.iota(jnp.int32, 16)
        i0 = w * 128
        pltpu.sync_copy(xt.at[:, pl.ds(i0, 128)], xtb)
        j_chunks = list(range(0, B1 - 16, 16)) + [B1 - 16]

        @pl.loop(0, 128)
        def _(ii):
            ci = iota * 0 + ii
            for j0 in j_chunks:
                v = plsc.load_gather(xtb, [iota + j0, ci])
                xfb[pl.ds(ii * B1 + j0, 16)] = v

        pltpu.sync_copy(xfb, xfl.at[pl.ds(w * PER_W, PER_W)])

    return k(xT)


def _gather(table, xfl):
    @pl.kernel(
        out_type=jax.ShapeDtypeStruct((B0 * B1, D), jnp.float32),
        mesh=_mesh,
        compiler_params=pltpu.CompilerParams(
            use_tc_tiling_on_sc=False, needs_layout_passes=False),
        scratch_types=[
            pltpu.VMEM((PER_W,), jnp.int32),
            pltpu.VMEM((UNIT, D), jnp.float32),
            pltpu.VMEM((UNIT, D), jnp.float32),
            pltpu.VMEM((UNIT, D), jnp.float32),
            pltpu.VMEM((UNIT, D), jnp.float32),
            pltpu.SemaphoreType.DMA,
            pltpu.SemaphoreType.DMA,
            pltpu.SemaphoreType.DMA,
            pltpu.SemaphoreType.DMA,
            pltpu.SemaphoreType.DMA,
            pltpu.SemaphoreType.DMA,
            pltpu.SemaphoreType.DMA,
            pltpu.SemaphoreType.DMA,
        ],
    )
    def k(tab, xf, out, xfb, g0, g1, g2, g3,
          sg0, sg1, sg2, sg3, so0, so1, so2, so3):
        w = lax.axis_index("subcore") * 2 + lax.axis_index("core")
        gbufs = (g0, g1, g2, g3)
        sgs = (sg0, sg1, sg2, sg3)
        sos = (so0, so1, so2, so3)
        base = w * PER_W

        pltpu.sync_copy(xf.at[pl.ds(base, PER_W)], xfb)

        def gather_copy(u, b):
            return pltpu.make_async_copy(
                tab.at[xfb.at[pl.ds(u * UNIT, UNIT)]], gbufs[b], sgs[b])

        def write_copy(u, b):
            return pltpu.make_async_copy(
                gbufs[b], out.at[pl.ds(base + u * UNIT, UNIT), :], sos[b])

        gather_copy(0, 0).start()
        gather_copy(1, 1).start()

        @pl.loop(0, N_UNITS, step=NSLOT)
        def _(u0):
            for db in range(NSLOT):
                u = u0 + db
                b = db % NSLOT
                nb = (db + 2) % NSLOT

                @pl.when(u >= 2)
                def _():
                    write_copy(u - 2, nb).wait()

                @pl.when(u + 2 < N_UNITS)
                def _():
                    gather_copy(u + 2, nb).start()

                gather_copy(u, b).wait()
                write_copy(u, b).start()

        write_copy(N_UNITS - 2, (N_UNITS - 2) % NSLOT).wait()
        write_copy(N_UNITS - 1, (N_UNITS - 1) % NSLOT).wait()

    return k(table, xfl)


def kernel(x, table):
    xT = x.T.astype(jnp.int32)
    xfl = _flatten_idx(xT)
    out = _gather(table, xfl)
    return out.reshape(B0, B1, D)

# --- scband reference (transcript-rebuilt; emitter-appended) ---
"""Pipeline reference for scband-variable-embedding-223338300069 (READ-ONLY COPY).

The authoritative reference and input builder live on the scoring server;
editing this copy changes nothing except your own understanding.
"""

import jax, jax.numpy as jnp
import numpy as np

D_MODEL = 64
NUM_VARIABLES = 999999
NUM_ROWS = NUM_VARIABLES + 1  # 1000000


def setup_inputs(seed: int = 0) -> dict:
    key = jax.random.key(seed)
    k1, k2 = jax.random.split(key)
    x = jax.random.randint(k1, (4096, 200), 0, 999999, dtype=jnp.int64)
    # nn.Embedding default init: N(0, 1)
    table = jax.random.normal(k2, (NUM_ROWS, D_MODEL), dtype=jnp.float32)
    return {"x": x, "table": table}


def reference(x, table):
    # Faithful translation of nn.Embedding lookup: out[i, j] = table[x[i, j]]
    return jnp.take(table, x, axis=0)

if __name__ == "__main__":
    import jax
    _d = setup_inputs()
    print(jax.jit(kernel)(*tuple(_d.values())))

</pallas_src>

<mosaic_0001>
#map = affine_map<(d0, d1) -> (0, 0)>
#map1 = affine_map<(d0, d1) -> (0)>
module attributes {stable_mosaic.version = 14 : i64} {
  func.func @k(%arg0: i32, %arg1: i32, %arg2: memref<200x4096xi32, #tpu.memory_space<hbm>>, %arg3: memref<819200xi32, #tpu.memory_space<hbm>>, %arg4: memref<200x128xi32, #tpu.memory_space<vmem>>, %arg5: memref<25600xi32, #tpu.memory_space<vmem>>) attributes {dimension_semantics = [#tpu.dimension_semantics<core_parallel>, #tpu.dimension_semantics<subcore_parallel>], iteration_bounds = array<i64: 2, 16>, scalar_prefetch = 0 : i64, scratch_operands = 2 : i64, tpu.core_type = #tpu.core_type<sc_vector_subcore>, window_params = [{transform_indices = #map}, {transform_indices = #map1}]} {
    %mul3A = arith.constant 2 : i32
    %mul3A_0 = arith.muli %arg1, %mul3A : i32
    %add3A = arith.addi %mul3A_0, %arg0 : i32
    %iota3A = tpu.iota {dimensions = array<i32: 0>} : vector<16xi32>
    %mul3A_1 = arith.constant 128 : i32
    %mul3A_2 = arith.muli %add3A, %mul3A_1 : i32
    "tpu.region"() ({
      %run_scoped3A = tpu.sem_alloc : memref<!tpu.dma_semaphore, #tpu.memory_space<semaphore_mem>>
      %dma_start3A = arith.constant 0 : i32
      %dma_start3A_9 = tpu.memref_slice %arg2[%dma_start3A, %mul3A_2] : memref<200x4096xi32, #tpu.memory_space<hbm>> -> memref<200x128xi32, #tpu.memory_space<hbm>>
      %dma_start3A_10 = arith.constant 0 : i32
      %dma_start3A_11 = tpu.memref_slice %arg2[%dma_start3A_10, %mul3A_2] : memref<200x4096xi32, #tpu.memory_space<hbm>> -> memref<200x128xi32, #tpu.memory_space<hbm>>
      tpu.enqueue_dma source(%dma_start3A_11 : memref<200x128xi32, #tpu.memory_space<hbm>>) target(%arg4 : memref<200x128xi32, #tpu.memory_space<vmem>>) target_semaphore(%run_scoped3A : memref<!tpu.dma_semaphore, #tpu.memory_space<semaphore_mem>>)
      %dma_wait3A = arith.constant 0 : i32
      %dma_wait3A_12 = tpu.memref_slice %arg2[%dma_wait3A, %mul3A_2] : memref<200x4096xi32, #tpu.memory_space<hbm>> -> memref<200x128xi32, #tpu.memory_space<hbm>>
      %dma_wait3A_13 = arith.constant 0 : i32
      %dma_wait3A_14 = tpu.memref_slice %arg2[%dma_wait3A_13, %mul3A_2] : memref<200x4096xi32, #tpu.memory_space<hbm>> -> memref<200x128xi32, #tpu.memory_space<hbm>>
      tpu.wait_dma2 semaphore(%run_scoped3A : memref<!tpu.dma_semaphore, #tpu.memory_space<semaphore_mem>>) src(%dma_wait3A_14 : memref<200x128xi32, #tpu.memory_space<hbm>>) dst(%arg4 : memref<200x128xi32, #tpu.memory_space<vmem>>)
      tpu.yield
    }) : () -> ()
    %scan3A = arith.constant 0 : i32
    %scan3A_3 = arith.constant 128 : i32
    %scan3A_4 = arith.addi %scan3A, %scan3A_3 : i32
    %scan3A_5 = arith.constant 1 : i32
    scf.for %scan3A_9 = %scan3A to %scan3A_4 step %scan3A_5  : i32 {
      %mul3A_10 = arith.constant 1 : i32
      %mul3A_11 = arith.muli %scan3A_9, %mul3A_10 : i32
      %add3A_12 = arith.constant 0 : i32
      %add3A_13 = arith.addi %add3A_12, %mul3A_11 : i32
      %mul3A_14 = arith.constant 0 : i32
      %mul3A_15 = vector.broadcast %mul3A_14 : i32 to vector<16xi32>
      %mul3A_16 = arith.muli %iota3A, %mul3A_15 : vector<16xi32>
      %add3A_17 = vector.broadcast %add3A_13 : i32 to vector<16xi32>
      %add3A_18 = arith.addi %mul3A_16, %add3A_17 : vector<16xi32>
      %add3A_19 = arith.constant 0 : i32
      %add3A_20 = vector.broadcast %add3A_19 : i32 to vector<16xi32>
      %add3A_21 = arith.addi %iota3A, %add3A_20 : vector<16xi32>
      %gather3A = tpu.vector_load_idx %arg4[%add3A_21, %add3A_18] : memref<200x128xi32, #tpu.memory_space<vmem>>[vector<16xi32>, vector<16xi32>], vector<16xi32>,
      %mul3A_22 = arith.constant 200 : i32
      %mul3A_23 = arith.muli %add3A_13, %mul3A_22 : i32
      %add3A_24 = arith.constant 0 : i32
      %add3A_25 = arith.addi %mul3A_23, %add3A_24 : i32
      %swap3A = arith.index_cast %add3A_25 : i32 to index
      %swap3A_26 = tpu.vector_load %arg5[%swap3A] {strides = array<i32>} : memref<25600xi32, #tpu.memory_space<vmem>>, vector<16xi32>,
      tpu.vector_store %arg5[%swap3A], %gather3A {strides = array<i32>} : memref<25600xi32, #tpu.memory_space<vmem>>, vector<16xi32>,
      %add3A_27 = arith.constant 16 : i32
      %add3A_28 = vector.broadcast %add3A_27 : i32 to vector<16xi32>
      %add3A_29 = arith.addi %iota3A, %add3A_28 : vector<16xi32>
      %gather3A_30 = tpu.vector_load_idx %arg4[%add3A_29, %add3A_18] : memref<200x128xi32, #tpu.memory_space<vmem>>[vector<16xi32>, vector<16xi32>], vector<16xi32>,
      %mul3A_31 = arith.constant 200 : i32
      %mul3A_32 = arith.muli %add3A_13, %mul3A_31 : i32
      %add3A_33 = arith.constant 16 : i32
      %add3A_34 = arith.addi %mul3A_32, %add3A_33 : i32
      %swap3A_35 = arith.index_cast %add3A_34 : i32 to index
      %swap3A_36 = tpu.vector_load %arg5[%swap3A_35] {strides = array<i32>} : memref<25600xi32, #tpu.memory_space<vmem>>, vector<16xi32>,
      tpu.vector_store %arg5[%swap3A_35], %gather3A_30 {strides = array<i32>} : memref<25600xi32, #tpu.memory_space<vmem>>, vector<16xi32>,
      %add3A_37 = arith.constant 32 : i32
      %add3A_38 = vector.broadcast %add3A_37 : i32 to vector<16xi32>
      %add3A_39 = arith.addi %iota3A, %add3A_38 : vector<16xi32>
      %gather3A_40 = tpu.vector_load_idx %arg4[%add3A_39, %add3A_18] : memref<200x128xi32, #tpu.memory_space<vmem>>[vector<16xi32>, vector<16xi32>], vector<16xi32>,
      %mul3A_41 = arith.constant 200 : i32
      %mul3A_42 = arith.muli %add3A_13, %mul3A_41 : i32
      %add3A_43 = arith.constant 32 : i32
      %add3A_44 = arith.addi %mul3A_42, %add3A_43 : i32
      %swap3A_45 = arith.index_cast %add3A_44 : i32 to index
      %swap3A_46 = tpu.vector_load %arg5[%swap3A_45] {strides = array<i32>} : memref<25600xi32, #tpu.memory_space<vmem>>, vector<16xi32>,
      tpu.vector_store %arg5[%swap3A_45], %gather3A_40 {strides = array<i32>} : memref<25600xi32, #tpu.memory_space<vmem>>, vector<16xi32>,
      %add3A_47 = arith.constant 48 : i32
      %add3A_48 = vector.broadcast %add3A_47 : i32 to vector<16xi32>
      %add3A_49 = arith.addi %iota3A, %add3A_48 : vector<16xi32>
      %gather3A_50 = tpu.vector_load_idx %arg4[%add3A_49, %add3A_18] : memref<200x128xi32, #tpu.memory_space<vmem>>[vector<16xi32>, vector<16xi32>], vector<16xi32>,
      %mul3A_51 = arith.constant 200 : i32
      %mul3A_52 = arith.muli %add3A_13, %mul3A_51 : i32
      %add3A_53 = arith.constant 48 : i32
      %add3A_54 = arith.addi %mul3A_52, %add3A_53 : i32
      %swap3A_55 = arith.index_cast %add3A_54 : i32 to index
      %swap3A_56 = tpu.vector_load %arg5[%swap3A_55] {strides = array<i32>} : memref<25600xi32, #tpu.memory_space<vmem>>, vector<16xi32>,
      tpu.vector_store %arg5[%swap3A_55], %gather3A_50 {strides = array<i32>} : memref<25600xi32, #tpu.memory_space<vmem>>, vector<16xi32>,
      %add3A_57 = arith.constant 64 : i32
      %add3A_58 = vector.broadcast %add3A_57 : i32 to vector<16xi32>
      %add3A_59 = arith.addi %iota3A, %add3A_58 : vector<16xi32>
      %gather3A_60 = tpu.vector_load_idx %arg4[%add3A_59, %add3A_18] : memref<200x128xi32, #tpu.memory_space<vmem>>[vector<16xi32>, vector<16xi32>], vector<16xi32>,
      %mul3A_61 = arith.constant 200 : i32
      %mul3A_62 = arith.muli %add3A_13, %mul3A_61 : i32
      %add3A_63 = arith.constant 64 : i32
      %add3A_64 = arith.addi %mul3A_62, %add3A_63 : i32
      %swap3A_65 = arith.index_cast %add3A_64 : i32 to index
      %swap3A_66 = tpu.vector_load %arg5[%swap3A_65] {strides = array<i32>} : memref<25600xi32, #tpu.memory_space<vmem>>, vector<16xi32>,
      tpu.vector_store %arg5[%swap3A_65], %gather3A_60 {strides = array<i32>} : memref<25600xi32, #tpu.memory_space<vmem>>, vector<16xi32>,
      %add3A_67 = arith.constant 80 : i32
      %add3A_68 = vector.broadcast %add3A_67 : i32 to vector<16xi32>
      %add3A_69 = arith.addi %iota3A, %add3A_68 : vector<16xi32>
      %gather3A_70 = tpu.vector_load_idx %arg4[%add3A_69, %add3A_18] : memref<200x128xi32, #tpu.memory_space<vmem>>[vector<16xi32>, vector<16xi32>], vector<16xi32>,
      %mul3A_71 = arith.constant 200 : i32
      %mul3A_72 = arith.muli %add3A_13, %mul3A_71 : i32
      %add3A_73 = arith.constant 80 : i32
      %add3A_74 = arith.addi %mul3A_72, %add3A_73 : i32
      %swap3A_75 = arith.index_cast %add3A_74 : i32 to index
      %swap3A_76 = tpu.vector_load %arg5[%swap3A_75] {strides = array<i32>} : memref<25600xi32, #tpu.memory_space<vmem>>, vector<16xi32>,
      tpu.vector_store %arg5[%swap3A_75], %gather3A_70 {strides = array<i32>} : memref<25600xi32, #tpu.memory_space<vmem>>, vector<16xi32>,
      %add3A_77 = arith.constant 96 : i32
      %add3A_78 = vector.broadcast %add3A_77 : i32 to vector<16xi32>
      %add3A_79 = arith.addi %iota3A, %add3A_78 : vector<16xi32>
      %gather3A_80 = tpu.vector_load_idx %arg4[%add3A_79, %add3A_18] : memref<200x128xi32, #tpu.memory_space<vmem>>[vector<16xi32>, vector<16xi32>], vector<16xi32>,
      %mul3A_81 = arith.constant 200 : i32
      %mul3A_82 = arith.muli %add3A_13, %mul3A_81 : i32
      %add3A_83 = arith.constant 96 : i32
      %add3A_84 = arith.addi %mul3A_82, %add3A_83 : i32
      %swap3A_85 = arith.index_cast %add3A_84 : i32 to index
      %swap3A_86 = tpu.vector_load %arg5[%swap3A_85] {strides = array<i32>} : memref<25600xi32, #tpu.memory_space<vmem>>, vector<16xi32>,
      tpu.vector_store %arg5[%swap3A_85], %gather3A_80 {strides = array<i32>} : memref<25600xi32, #tpu.memory_space<vmem>>, vector<16xi32>,
      %add3A_87 = arith.constant 112 : i32
      %add3A_88 = vector.broadcast %add3A_87 : i32 to vector<16xi32>
      %add3A_89 = arith.addi %iota3A, %add3A_88 : vector<16xi32>
      %gather3A_90 = tpu.vector_load_idx %arg4[%add3A_89, %add3A_18] : memref<200x128xi32, #tpu.memory_space<vmem>>[vector<16xi32>, vector<16xi32>], vector<16xi32>,
      %mul3A_91 = arith.constant 200 : i32
      %mul3A_92 = arith.muli %add3A_13, %mul3A_91 : i32
      %add3A_93 = arith.constant 112 : i32
      %add3A_94 = arith.addi %mul3A_92, %add3A_93 : i32
      %swap3A_95 = arith.index_cast %add3A_94 : i32 to index
      %swap3A_96 = tpu.vector_load %arg5[%swap3A_95] {strides = array<i32>} : memref<25600xi32, #tpu.memory_space<vmem>>, vector<16xi32>,
      tpu.vector_store %arg5[%swap3A_95], %gather3A_90 {strides = array<i32>} : memref<25600xi32, #tpu.memory_space<vmem>>, vector<16xi32>,
      %add3A_97 = arith.constant 128 : i32
      %add3A_98 = vector.broadcast %add3A_97 : i32 to vector<16xi32>
      %add3A_99 = arith.addi %iota3A, %add3A_98 : vector<16xi32>
      %gather3A_100 = tpu.vector_load_idx %arg4[%add3A_99, %add3A_18] : memref<200x128xi32, #tpu.memory_space<vmem>>[vector<16xi32>, vector<16xi32>], vector<16xi32>,
      %mul3A_101 = arith.constant 200 : i32
      %mul3A_102 = arith.muli %add3A_13, %mul3A_101 : i32
      %add3A_103 = arith.constant 128 : i32
      %add3A_104 = arith.addi %mul3A_102, %add3A_103 : i32
      %swap3A_105 = arith.index_cast %add3A_104 : i32 to index
      %swap3A_106 = tpu.vector_load %arg5[%swap3A_105] {strides = array<i32>} : memref<25600xi32, #tpu.memory_space<vmem>>, vector<16xi32>,
      tpu.vector_store %arg5[%swap3A_105], %gather3A_100 {strides = array<i32>} : memref<25600xi32, #tpu.memory_space<vmem>>, vector<16xi32>,
      %add3A_107 = arith.constant 144 : i32
      %add3A_108 = vector.broadcast %add3A_107 : i32 to vector<16xi32>
      %add3A_109 = arith.addi %iota3A, %add3A_108 : vector<16xi32>
      %gather3A_110 = tpu.vector_load_idx %arg4[%add3A_109, %add3A_18] : memref<200x128xi32, #tpu.memory_space<vmem>>[vector<16xi32>, vector<16xi32>], vector<16xi32>,
      %mul3A_111 = arith.constant 200 : i32
      %mul3A_112 = arith.muli %add3A_13, %mul3A_111 : i32
      %add3A_113 = arith.constant 144 : i32
      %add3A_114 = arith.addi %mul3A_112, %add3A_113 : i32
      %swap3A_115 = arith.index_cast %add3A_114 : i32 to index
      %swap3A_116 = tpu.vector_load %arg5[%swap3A_115] {strides = array<i32>} : memref<25600xi32, #tpu.memory_space<vmem>>, vector<16xi32>,
      tpu.vector_store %arg5[%swap3A_115], %gather3A_110 {strides = array<i32>} : memref<25600xi32, #tpu.memory_space<vmem>>, vector<16xi32>,
      %add3A_117 = arith.constant 160 : i32
      %add3A_118 = vector.broadcast %add3A_117 : i32 to vector<16xi32>
      %add3A_119 = arith.addi %iota3A, %add3A_118 : vector<16xi32>
      %gather3A_120 = tpu.vector_load_idx %arg4[%add3A_119, %add3A_18] : memref<200x128xi32, #tpu.memory_space<vmem>>[vector<16xi32>, vector<16xi32>], vector<16xi32>,
      %mul3A_121 = arith.constant 200 : i32
      %mul3A_122 = arith.muli %add3A_13, %mul3A_121 : i32
      %add3A_123 = arith.constant 160 : i32
      %add3A_124 = arith.addi %mul3A_122, %add3A_123 : i32
      %swap3A_125 = arith.index_cast %add3A_124 : i32 to index
      %swap3A_126 = tpu.vector_load %arg5[%swap3A_125] {strides = array<i32>} : memref<25600xi32, #tpu.memory_space<vmem>>, vector<16xi32>,
      tpu.vector_store %arg5[%swap3A_125], %gather3A_120 {strides = array<i32>} : memref<25600xi32, #tpu.memory_space<vmem>>, vector<16xi32>,
      %add3A_127 = arith.constant 176 : i32
      %add3A_128 = vector.broadcast %add3A_127 : i32 to vector<16xi32>
      %add3A_129 = arith.addi %iota3A, %add3A_128 : vector<16xi32>
      %gather3A_130 = tpu.vector_load_idx %arg4[%add3A_129, %add3A_18] : memref<200x128xi32, #tpu.memory_space<vmem>>[vector<16xi32>, vector<16xi32>], vector<16xi32>,
      %mul3A_131 = arith.constant 200 : i32
      %mul3A_132 = arith.muli %add3A_13, %mul3A_131 : i32
      %add3A_133 = arith.constant 176 : i32
      %add3A_134 = arith.addi %mul3A_132, %add3A_133 : i32
      %swap3A_135 = arith.index_cast %add3A_134 : i32 to index
      %swap3A_136 = tpu.vector_load %arg5[%swap3A_135] {strides = array<i32>} : memref<25600xi32, #tpu.memory_space<vmem>>, vector<16xi32>,
      tpu.vector_store %arg5[%swap3A_135], %gather3A_130 {strides = array<i32>} : memref<25600xi32, #tpu.memory_space<vmem>>, vector<16xi32>,
      %add3A_137 = arith.constant 184 : i32
      %add3A_138 = vector.broadcast %add3A_137 : i32 to vector<16xi32>
      %add3A_139 = arith.addi %iota3A, %add3A_138 : vector<16xi32>
      %gather3A_140 = tpu.vector_load_idx %arg4[%add3A_139, %add3A_18] : memref<200x128xi32, #tpu.memory_space<vmem>>[vector<16xi32>, vector<16xi32>], vector<16xi32>,
      %mul3A_141 = arith.constant 200 : i32
      %mul3A_142 = arith.muli %add3A_13, %mul3A_141 : i32
      %add3A_143 = arith.constant 184 : i32
      %add3A_144 = arith.addi %mul3A_142, %add3A_143 : i32
      %swap3A_145 = arith.index_cast %add3A_144 : i32 to index
      %swap3A_146 = tpu.vector_load %arg5[%swap3A_145] {strides = array<i32>} : memref<25600xi32, #tpu.memory_space<vmem>>, vector<16xi32>,
      tpu.vector_store %arg5[%swap3A_145], %gather3A_140 {strides = array<i32>} : memref<25600xi32, #tpu.memory_space<vmem>>, vector<16xi32>,
    }
    %scan3A_6 = arith.constant 128 : i32
    %mul3A_7 = arith.constant 25600 : i32
    %mul3A_8 = arith.muli %add3A, %mul3A_7 : i32
    "tpu.region"() ({
      %run_scoped3A = tpu.sem_alloc : memref<!tpu.dma_semaphore, #tpu.memory_space<semaphore_mem>>
      %dma_start3A = tpu.memref_slice %arg3[%mul3A_8] : memref<819200xi32, #tpu.memory_space<hbm>> -> memref<25600xi32, #tpu.memory_space<hbm>>
      %dma_start3A_9 = tpu.memref_slice %arg3[%mul3A_8] : memref<819200xi32, #tpu.memory_space<hbm>> -> memref<25600xi32, #tpu.memory_space<hbm>>
      tpu.enqueue_dma source(%arg5 : memref<25600xi32, #tpu.memory_space<vmem>>) target(%dma_start3A_9 : memref<25600xi32, #tpu.memory_space<hbm>>) target_semaphore(%run_scoped3A : memref<!tpu.dma_semaphore, #tpu.memory_space<semaphore_mem>>)
      %dma_wait3A = tpu.memref_slice %arg3[%mul3A_8] : memref<819200xi32, #tpu.memory_space<hbm>> -> memref<25600xi32, #tpu.memory_space<hbm>>
      %dma_wait3A_10 = tpu.memref_slice %arg3[%mul3A_8] : memref<819200xi32, #tpu.memory_space<hbm>> -> memref<25600xi32, #tpu.memory_space<hbm>>
      tpu.wait_dma2 semaphore(%run_scoped3A : memref<!tpu.dma_semaphore, #tpu.memory_space<semaphore_mem>>) src(%arg5 : memref<25600xi32, #tpu.memory_space<vmem>>) dst(%dma_wait3A_10 : memref<25600xi32, #tpu.memory_space<hbm>>)
      tpu.yield
    }) : () -> ()
    return
  }
}

#map = affine_map<(d0, d1) -> (0, 0)>
#map1 = affine_map<(d0, d1) -> (0)>
module attributes {stable_mosaic.version = 14 : i64} {
  func.func @k(%arg0: i32, %arg1: i32, %arg2: memref<1000000x64xf32, #tpu.memory_space<hbm>>, %arg3: memref<819200xi32, #tpu.memory_space<hbm>>, %arg4: memref<819200x64xf32, #tpu.memory_space<hbm>>, %arg5: memref<25600xi32, #tpu.memory_space<vmem>>, %arg6: memref<256x64xf32, #tpu.memory_space<vmem>>, %arg7: memref<256x64xf32, #tpu.memory_space<vmem>>, %arg8: memref<256x64xf32, #tpu.memory_space<vmem>>, %arg9: memref<256x64xf32, #tpu.memory_space<vmem>>, %arg10: memref<!tpu.dma_semaphore, #tpu.memory_space<semaphore_mem>>, %arg11: memref<!tpu.dma_semaphore, #tpu.memory_space<semaphore_mem>>, %arg12: memref<!tpu.dma_semaphore, #tpu.memory_space<semaphore_mem>>, %arg13: memref<!tpu.dma_semaphore, #tpu.memory_space<semaphore_mem>>, %arg14: memref<!tpu.dma_semaphore, #tpu.memory_space<semaphore_mem>>, %arg15: memref<!tpu.dma_semaphore, #tpu.memory_space<semaphore_mem>>, %arg16: memref<!tpu.dma_semaphore, #tpu.memory_space<semaphore_mem>>, %arg17: memref<!tpu.dma_semaphore, #tpu.memory_space<semaphore_mem>>) attributes {dimension_semantics = [#tpu.dimension_semantics<core_parallel>, #tpu.dimension_semantics<subcore_parallel>], iteration_bounds = array<i64: 2, 16>, scalar_prefetch = 0 : i64, scratch_operands = 13 : i64, tpu.core_type = #tpu.core_type<sc_vector_subcore>, window_params = [{transform_indices = #map}, {transform_indices = #map1}, {transform_indices = #map}]} {
    %mul3A = arith.constant 2 : i32
    %mul3A_0 = arith.muli %arg1, %mul3A : i32
    %add3A = arith.addi %mul3A_0, %arg0 : i32
    %mul3A_1 = arith.constant 25600 : i32
    %mul3A_2 = arith.muli %add3A, %mul3A_1 : i32
    "tpu.region"() ({
      %run_scoped3A = tpu.sem_alloc : memref<!tpu.dma_semaphore, #tpu.memory_space<semaphore_mem>>
      %dma_start3A_27 = tpu.memref_slice %arg3[%mul3A_2] : memref<819200xi32, #tpu.memory_space<hbm>> -> memref<25600xi32, #tpu.memory_space<hbm>>
      %dma_start3A_28 = tpu.memref_slice %arg3[%mul3A_2] : memref<819200xi32, #tpu.memory_space<hbm>> -> memref<25600xi32, #tpu.memory_space<hbm>>
      tpu.enqueue_dma source(%dma_start3A_28 : memref<25600xi32, #tpu.memory_space<hbm>>) target(%arg5 : memref<25600xi32, #tpu.memory_space<vmem>>) target_semaphore(%run_scoped3A : memref<!tpu.dma_semaphore, #tpu.memory_space<semaphore_mem>>)
      %dma_wait3A_29 = tpu.memref_slice %arg3[%mul3A_2] : memref<819200xi32, #tpu.memory_space<hbm>> -> memref<25600xi32, #tpu.memory_space<hbm>>
      %dma_wait3A_30 = tpu.memref_slice %arg3[%mul3A_2] : memref<819200xi32, #tpu.memory_space<hbm>> -> memref<25600xi32, #tpu.memory_space<hbm>>
      tpu.wait_dma2 semaphore(%run_scoped3A : memref<!tpu.dma_semaphore, #tpu.memory_space<semaphore_mem>>) src(%dma_wait3A_30 : memref<25600xi32, #tpu.memory_space<hbm>>) dst(%arg5 : memref<25600xi32, #tpu.memory_space<vmem>>)
      tpu.yield
    }) : () -> ()
    %dma_start3A = arith.constant 0 : i32
    %dma_start3A_3 = tpu.memref_slice %arg5[%dma_start3A] : memref<25600xi32, #tpu.memory_space<vmem>> -> memref<256xi32, #tpu.memory_space<vmem>>
    %dma_start3A_4 = arith.constant 0 : i32
    %dma_start3A_5 = arith.constant 0 : i32
    %dma_start3A_6 = tpu.memref_slice %arg2[%dma_start3A_4, %dma_start3A_5] : memref<1000000x64xf32, #tpu.memory_space<hbm>> -> memref<1000000x64xf32, #tpu.memory_space<hbm>>
    tpu.enqueue_indirect_dma source(%dma_start3A_6 : memref<1000000x64xf32, #tpu.memory_space<hbm>>) target(%arg6 : memref<256x64xf32, #tpu.memory_space<vmem>>) offsets(%dma_start3A_3 : memref<256xi32, #tpu.memory_space<vmem>>) semaphore(%arg10 : memref<!tpu.dma_semaphore, #tpu.memory_space<semaphore_mem>>)
    %dma_start3A_7 = arith.constant 256 : i32
    %dma_start3A_8 = tpu.memref_slice %arg5[%dma_start3A_7] : memref<25600xi32, #tpu.memory_space<vmem>> -> memref<256xi32, #tpu.memory_space<vmem>>
    %dma_start3A_9 = arith.constant 0 : i32
    %dma_start3A_10 = arith.constant 0 : i32
    %dma_start3A_11 = tpu.memref_slice %arg2[%dma_start3A_9, %dma_start3A_10] : memref<1000000x64xf32, #tpu.memory_space<hbm>> -> memref<1000000x64xf32, #tpu.memory_space<hbm>>
    tpu.enqueue_indirect_dma source(%dma_start3A_11 : memref<1000000x64xf32, #tpu.memory_space<hbm>>) target(%arg7 : memref<256x64xf32, #tpu.memory_space<vmem>>) offsets(%dma_start3A_8 : memref<256xi32, #tpu.memory_space<vmem>>) semaphore(%arg11 : memref<!tpu.dma_semaphore, #tpu.memory_space<semaphore_mem>>)
    %scan3A = arith.constant 0 : i32
    %scan3A_12 = arith.constant 25 : i32
    %scan3A_13 = arith.addi %scan3A, %scan3A_12 : i32
    %scan3A_14 = arith.constant 1 : i32
    scf.for %scan3A_27 = %scan3A to %scan3A_13 step %scan3A_14  : i32 {
      %mul3A_28 = arith.constant 4 : i32
      %mul3A_29 = arith.muli %scan3A_27, %mul3A_28 : i32
      %add3A_30 = arith.constant 0 : i32
      %add3A_31 = arith.addi %add3A_30, %mul3A_29 : i32
      %add3A_32 = arith.constant 0 : i32
      %add3A_33 = arith.addi %add3A_31, %add3A_32 : i32
      %ge3A = arith.constant 2 : i32
      %ge3A_34 = arith.cmpi sge, %add3A_33, %ge3A : i32
      %convert_element_type3A = arith.extui %ge3A_34 : i1 to i32
      %cond3A = arith.constant 0 : i32
      %cond3A_35 = arith.cmpi ne, %convert_element_type3A, %cond3A : i32
      scf.if %cond3A_35 {
        %sub3A = arith.constant 2 : i32
        %sub3A_136 = arith.subi %add3A_33, %sub3A : i32
        %mul3A_137 = arith.constant 256 : i32
        %mul3A_138 = arith.muli %sub3A_136, %mul3A_137 : i32
        %add3A_139 = arith.addi %mul3A_2, %mul3A_138 : i32
        %dma_wait3A_140 = arith.constant 0 : i32
        %dma_wait3A_141 = tpu.memref_slice %arg4[%add3A_139, %dma_wait3A_140] : memref<819200x64xf32, #tpu.memory_space<hbm>> -> memref<256x64xf32, #tpu.memory_space<hbm>>
        %dma_wait3A_142 = arith.constant 0 : i32
        %dma_wait3A_143 = tpu.memref_slice %arg4[%add3A_139, %dma_wait3A_142] : memref<819200x64xf32, #tpu.memory_space<hbm>> -> memref<256x64xf32, #tpu.memory_space<hbm>>
        tpu.wait_dma2 semaphore(%arg16 : memref<!tpu.dma_semaphore, #tpu.memory_space<semaphore_mem>>) src(%arg8 : memref<256x64xf32, #tpu.memory_space<vmem>>) dst(%dma_wait3A_143 : memref<256x64xf32, #tpu.memory_space<hbm>>)
      } else {
      }
      %add3A_36 = arith.constant 2 : i32
      %add3A_37 = arith.addi %add3A_33, %add3A_36 : i32
      %lt3A = arith.constant 100 : i32
      %lt3A_38 = arith.cmpi slt, %add3A_37, %lt3A : i32
      %convert_element_type3A_39 = arith.extui %lt3A_38 : i1 to i32
      %cond3A_40 = arith.constant 0 : i32
      %cond3A_41 = arith.cmpi ne, %convert_element_type3A_39, %cond3A_40 : i32
      scf.if %cond3A_41 {
        %add3A_136 = arith.constant 2 : i32
        %add3A_137 = arith.addi %add3A_33, %add3A_136 : i32
        %mul3A_138 = arith.constant 256 : i32
        %mul3A_139 = arith.muli %add3A_137, %mul3A_138 : i32
        %dma_start3A_140 = tpu.memref_slice %arg5[%mul3A_139] : memref<25600xi32, #tpu.memory_space<vmem>> -> memref<256xi32, #tpu.memory_space<vmem>>
        %dma_start3A_141 = arith.constant 0 : i32
        %dma_start3A_142 = arith.constant 0 : i32
        %dma_start3A_143 = tpu.memref_slice %arg2[%dma_start3A_141, %dma_start3A_142] : memref<1000000x64xf32, #tpu.memory_space<hbm>> -> memref<1000000x64xf32, #tpu.memory_space<hbm>>
        tpu.enqueue_indirect_dma source(%dma_start3A_143 : memref<1000000x64xf32, #tpu.memory_space<hbm>>) target(%arg8 : memref<256x64xf32, #tpu.memory_space<vmem>>) offsets(%dma_start3A_140 : memref<256xi32, #tpu.memory_space<vmem>>) semaphore(%arg12 : memref<!tpu.dma_semaphore, #tpu.memory_space<semaphore_mem>>)
      } else {
      }
      %mul3A_42 = arith.constant 256 : i32
      %mul3A_43 = arith.muli %add3A_33, %mul3A_42 : i32
      %dma_wait3A_44 = tpu.memref_slice %arg5[%mul3A_43] : memref<25600xi32, #tpu.memory_space<vmem>> -> memref<256xi32, #tpu.memory_space<vmem>>
      %dma_wait3A_45 = arith.constant 0 : i32
      %dma_wait3A_46 = arith.constant 0 : i32
      %dma_wait3A_47 = tpu.memref_slice %arg2[%dma_wait3A_45, %dma_wait3A_46] : memref<1000000x64xf32, #tpu.memory_space<hbm>> -> memref<1000000x64xf32, #tpu.memory_space<hbm>>
      tpu.wait_indirect_dma semaphore(%arg10 : memref<!tpu.dma_semaphore, #tpu.memory_space<semaphore_mem>>) src(%dma_wait3A_47 : memref<1000000x64xf32, #tpu.memory_space<hbm>>) dst(%arg6 : memref<256x64xf32, #tpu.memory_space<vmem>>)
      %mul3A_48 = arith.constant 256 : i32
      %mul3A_49 = arith.muli %add3A_33, %mul3A_48 : i32
      %add3A_50 = arith.addi %mul3A_2, %mul3A_49 : i32
      %dma_start3A_51 = arith.constant 0 : i32
      %dma_start3A_52 = tpu.memref_slice %arg4[%add3A_50, %dma_start3A_51] : memref<819200x64xf32, #tpu.memory_space<hbm>> -> memref<256x64xf32, #tpu.memory_space<hbm>>
      %dma_start3A_53 = arith.constant 0 : i32
      %dma_start3A_54 = tpu.memref_slice %arg4[%add3A_50, %dma_start3A_53] : memref<819200x64xf32, #tpu.memory_space<hbm>> -> memref<256x64xf32, #tpu.memory_space<hbm>>
      tpu.enqueue_dma source(%arg6 : memref<256x64xf32, #tpu.memory_space<vmem>>) target(%dma_start3A_54 : memref<256x64xf32, #tpu.memory_space<hbm>>) target_semaphore(%arg14 : memref<!tpu.dma_semaphore, #tpu.memory_space<semaphore_mem>>)
      %add3A_55 = arith.constant 1 : i32
      %add3A_56 = arith.addi %add3A_31, %add3A_55 : i32
      %ge3A_57 = arith.constant 2 : i32
      %ge3A_58 = arith.cmpi sge, %add3A_56, %ge3A_57 : i32
      %convert_element_type3A_59 = arith.extui %ge3A_58 : i1 to i32
      %cond3A_60 = arith.constant 0 : i32
      %cond3A_61 = arith.cmpi ne, %convert_element_type3A_59, %cond3A_60 : i32
      scf.if %cond3A_61 {
        %sub3A = arith.constant 2 : i32
        %sub3A_136 = arith.subi %add3A_56, %sub3A : i32
        %mul3A_137 = arith.constant 256 : i32
        %mul3A_138 = arith.muli %sub3A_136, %mul3A_137 : i32
        %add3A_139 = arith.addi %mul3A_2, %mul3A_138 : i32
        %dma_wait3A_140 = arith.constant 0 : i32
        %dma_wait3A_141 = tpu.memref_slice %arg4[%add3A_139, %dma_wait3A_140] : memref<819200x64xf32, #tpu.memory_space<hbm>> -> memref<256x64xf32, #tpu.memory_space<hbm>>
        %dma_wait3A_142 = arith.constant 0 : i32
        %dma_wait3A_143 = tpu.memref_slice %arg4[%add3A_139, %dma_wait3A_142] : memref<819200x64xf32, #tpu.memory_space<hbm>> -> memref<256x64xf32, #tpu.memory_space<hbm>>
        tpu.wait_dma2 semaphore(%arg17 : memref<!tpu.dma_semaphore, #tpu.memory_space<semaphore_mem>>) src(%arg9 : memref<256x64xf32, #tpu.memory_space<vmem>>) dst(%dma_wait3A_143 : memref<256x64xf32, #tpu.memory_space<hbm>>)
      } else {
      }
      %add3A_62 = arith.constant 2 : i32
      %add3A_63 = arith.addi %add3A_56, %add3A_62 : i32
      %lt3A_64 = arith.constant 100 : i32
      %lt3A_65 = arith.cmpi slt, %add3A_63, %lt3A_64 : i32
      %convert_element_type3A_66 = arith.extui %lt3A_65 : i1 to i32
      %cond3A_67 = arith.constant 0 : i32
      %cond3A_68 = arith.cmpi ne, %convert_element_type3A_66, %cond3A_67 : i32
      scf.if %cond3A_68 {
        %add3A_136 = arith.constant 2 : i32
        %add3A_137 = arith.addi %add3A_56, %add3A_136 : i32
        %mul3A_138 = arith.constant 256 : i32
        %mul3A_139 = arith.muli %add3A_137, %mul3A_138 : i32
        %dma_start3A_140 = tpu.memref_slice %arg5[%mul3A_139] : memref<25600xi32, #tpu.memory_space<vmem>> -> memref<256xi32, #tpu.memory_space<vmem>>
        %dma_start3A_141 = arith.constant 0 : i32
        %dma_start3A_142 = arith.constant 0 : i32
        %dma_start3A_143 = tpu.memref_slice %arg2[%dma_start3A_141, %dma_start3A_142] : memref<1000000x64xf32, #tpu.memory_space<hbm>> -> memref<1000000x64xf32, #tpu.memory_space<hbm>>
        tpu.enqueue_indirect_dma source(%dma_start3A_143 : memref<1000000x64xf32, #tpu.memory_space<hbm>>) target(%arg9 : memref<256x64xf32, #tpu.memory_space<vmem>>) offsets(%dma_start3A_140 : memref<256xi32, #tpu.memory_space<vmem>>) semaphore(%arg13 : memref<!tpu.dma_semaphore, #tpu.memory_space<semaphore_mem>>)
      } else {
      }
      %mul3A_69 = arith.constant 256 : i32
      %mul3A_70 = arith.muli %add3A_56, %mul3A_69 : i32
      %dma_wait3A_71 = tpu.memref_slice %arg5[%mul3A_70] : memref<25600xi32, #tpu.memory_space<vmem>> -> memref<256xi32, #tpu.memory_space<vmem>>
      %dma_wait3A_72 = arith.constant 0 : i32
      %dma_wait3A_73 = arith.constant 0 : i32
      %dma_wait3A_74 = tpu.memref_slice %arg2[%dma_wait3A_72, %dma_wait3A_73] : memref<1000000x64xf32, #tpu.memory_space<hbm>> -> memref<1000000x64xf32, #tpu.memory_space<hbm>>
      tpu.wait_indirect_dma semaphore(%arg11 : memref<!tpu.dma_semaphore, #tpu.memory_space<semaphore_mem>>) src(%dma_wait3A_74 : memref<1000000x64xf32, #tpu.memory_space<hbm>>) dst(%arg7 : memref<256x64xf32, #tpu.memory_space<vmem>>)
      %mul3A_75 = arith.constant 256 : i32
      %mul3A_76 = arith.muli %add3A_56, %mul3A_75 : i32
      %add3A_77 = arith.addi %mul3A_2, %mul3A_76 : i32
      %dma_start3A_78 = arith.constant 0 : i32
      %dma_start3A_79 = tpu.memref_slice %arg4[%add3A_77, %dma_start3A_78] : memref<819200x64xf32, #tpu.memory_space<hbm>> -> memref<256x64xf32, #tpu.memory_space<hbm>>
      %dma_start3A_80 = arith.constant 0 : i32
      %dma_start3A_81 = tpu.memref_slice %arg4[%add3A_77, %dma_start3A_80] : memref<819200x64xf32, #tpu.memory_space<hbm>> -> memref<256x64xf32, #tpu.memory_space<hbm>>
      tpu.enqueue_dma source(%arg7 : memref<256x64xf32, #tpu.memory_space<vmem>>) target(%dma_start3A_81 : memref<256x64xf32, #tpu.memory_space<hbm>>) target_semaphore(%arg15 : memref<!tpu.dma_semaphore, #tpu.memory_space<semaphore_mem>>)
      %add3A_82 = arith.constant 2 : i32
      %add3A_83 = arith.addi %add3A_31, %add3A_82 : i32
      %ge3A_84 = arith.constant 2 : i32
      %ge3A_85 = arith.cmpi sge, %add3A_83, %ge3A_84 : i32
      %convert_element_type3A_86 = arith.extui %ge3A_85 : i1 to i32
      %cond3A_87 = arith.constant 0 : i32
      %cond3A_88 = arith.cmpi ne, %convert_element_type3A_86, %cond3A_87 : i32
      scf.if %cond3A_88 {
        %sub3A = arith.constant 2 : i32
        %sub3A_136 = arith.subi %add3A_83, %sub3A : i32
        %mul3A_137 = arith.constant 256 : i32
        %mul3A_138 = arith.muli %sub3A_136, %mul3A_137 : i32
        %add3A_139 = arith.addi %mul3A_2, %mul3A_138 : i32
        %dma_wait3A_140 = arith.constant 0 : i32
        %dma_wait3A_141 = tpu.memref_slice %arg4[%add3A_139, %dma_wait3A_140] : memref<819200x64xf32, #tpu.memory_space<hbm>> -> memref<256x64xf32, #tpu.memory_space<hbm>>
        %dma_wait3A_142 = arith.constant 0 : i32
        %dma_wait3A_143 = tpu.memref_slice %arg4[%add3A_139, %dma_wait3A_142] : memref<819200x64xf32, #tpu.memory_space<hbm>> -> memref<256x64xf32, #tpu.memory_space<hbm>>
        tpu.wait_dma2 semaphore(%arg14 : memref<!tpu.dma_semaphore, #tpu.memory_space<semaphore_mem>>) src(%arg6 : memref<256x64xf32, #tpu.memory_space<vmem>>) dst(%dma_wait3A_143 : memref<256x64xf32, #tpu.memory_space<hbm>>)
      } else {
      }
      %add3A_89 = arith.constant 2 : i32
      %add3A_90 = arith.addi %add3A_83, %add3A_89 : i32
      %lt3A_91 = arith.constant 100 : i32
      %lt3A_92 = arith.cmpi slt, %add3A_90, %lt3A_91 : i32
      %convert_element_type3A_93 = arith.extui %lt3A_92 : i1 to i32
      %cond3A_94 = arith.constant 0 : i32
      %cond3A_95 = arith.cmpi ne, %convert_element_type3A_93, %cond3A_94 : i32
      scf.if %cond3A_95 {
        %add3A_136 = arith.constant 2 : i32
        %add3A_137 = arith.addi %add3A_83, %add3A_136 : i32
        %mul3A_138 = arith.constant 256 : i32
        %mul3A_139 = arith.muli %add3A_137, %mul3A_138 : i32
        %dma_start3A_140 = tpu.memref_slice %arg5[%mul3A_139] : memref<25600xi32, #tpu.memory_space<vmem>> -> memref<256xi32, #tpu.memory_space<vmem>>
        %dma_start3A_141 = arith.constant 0 : i32
        %dma_start3A_142 = arith.constant 0 : i32
        %dma_start3A_143 = tpu.memref_slice %arg2[%dma_start3A_141, %dma_start3A_142] : memref<1000000x64xf32, #tpu.memory_space<hbm>> -> memref<1000000x64xf32, #tpu.memory_space<hbm>>
        tpu.enqueue_indirect_dma source(%dma_start3A_143 : memref<1000000x64xf32, #tpu.memory_space<hbm>>) target(%arg6 : memref<256x64xf32, #tpu.memory_space<vmem>>) offsets(%dma_start3A_140 : memref<256xi32, #tpu.memory_space<vmem>>) semaphore(%arg10 : memref<!tpu.dma_semaphore, #tpu.memory_space<semaphore_mem>>)
      } else {
      }
      %mul3A_96 = arith.constant 256 : i32
      %mul3A_97 = arith.muli %add3A_83, %mul3A_96 : i32
      %dma_wait3A_98 = tpu.memref_slice %arg5[%mul3A_97] : memref<25600xi32, #tpu.memory_space<vmem>> -> memref<256xi32, #tpu.memory_space<vmem>>
      %dma_wait3A_99 = arith.constant 0 : i32
      %dma_wait3A_100 = arith.constant 0 : i32
      %dma_wait3A_101 = tpu.memref_slice %arg2[%dma_wait3A_99, %dma_wait3A_100] : memref<1000000x64xf32, #tpu.memory_space<hbm>> -> memref<1000000x64xf32, #tpu.memory_space<hbm>>
      tpu.wait_indirect_dma semaphore(%arg12 : memref<!tpu.dma_semaphore, #tpu.memory_space<semaphore_mem>>) src(%dma_wait3A_101 : memref<1000000x64xf32, #tpu.memory_space<hbm>>) dst(%arg8 : memref<256x64xf32, #tpu.memory_space<vmem>>)
      %mul3A_102 = arith.constant 256 : i32
      %mul3A_103 = arith.muli %add3A_83, %mul3A_102 : i32
      %add3A_104 = arith.addi %mul3A_2, %mul3A_103 : i32
      %dma_start3A_105 = arith.constant 0 : i32
      %dma_start3A_106 = tpu.memref_slice %arg4[%add3A_104, %dma_start3A_105] : memref<819200x64xf32, #tpu.memory_space<hbm>> -> memref<256x64xf32, #tpu.memory_space<hbm>>
      %dma_start3A_107 = arith.constant 0 : i32
      %dma_start3A_108 = tpu.memref_slice %arg4[%add3A_104, %dma_start3A_107] : memref<819200x64xf32, #tpu.memory_space<hbm>> -> memref<256x64xf32, #tpu.memory_space<hbm>>
      tpu.enqueue_dma source(%arg8 : memref<256x64xf32, #tpu.memory_space<vmem>>) target(%dma_start3A_108 : memref<256x64xf32, #tpu.memory_space<hbm>>) target_semaphore(%arg16 : memref<!tpu.dma_semaphore, #tpu.memory_space<semaphore_mem>>)
      %add3A_109 = arith.constant 3 : i32
      %add3A_110 = arith.addi %add3A_31, %add3A_109 : i32
      %ge3A_111 = arith.constant 2 : i32
      %ge3A_112 = arith.cmpi sge, %add3A_110, %ge3A_111 : i32
      %convert_element_type3A_113 = arith.extui %ge3A_112 : i1 to i32
      %cond3A_114 = arith.constant 0 : i32
      %cond3A_115 = arith.cmpi ne, %convert_element_type3A_113, %cond3A_114 : i32
      scf.if %cond3A_115 {
        %sub3A = arith.constant 2 : i32
        %sub3A_136 = arith.subi %add3A_110, %sub3A : i32
        %mul3A_137 = arith.constant 256 : i32
        %mul3A_138 = arith.muli %sub3A_136, %mul3A_137 : i32
        %add3A_139 = arith.addi %mul3A_2, %mul3A_138 : i32
        %dma_wait3A_140 = arith.constant 0 : i32
        %dma_wait3A_141 = tpu.memref_slice %arg4[%add3A_139, %dma_wait3A_140] : memref<819200x64xf32, #tpu.memory_space<hbm>> -> memref<256x64xf32, #tpu.memory_space<hbm>>
        %dma_wait3A_142 = arith.constant 0 : i32
        %dma_wait3A_143 = tpu.memref_slice %arg4[%add3A_139, %dma_wait3A_142] : memref<819200x64xf32, #tpu.memory_space<hbm>> -> memref<256x64xf32, #tpu.memory_space<hbm>>
        tpu.wait_dma2 semaphore(%arg15 : memref<!tpu.dma_semaphore, #tpu.memory_space<semaphore_mem>>) src(%arg7 : memref<256x64xf32, #tpu.memory_space<vmem>>) dst(%dma_wait3A_143 : memref<256x64xf32, #tpu.memory_space<hbm>>)
      } else {
      }
      %add3A_116 = arith.constant 2 : i32
      %add3A_117 = arith.addi %add3A_110, %add3A_116 : i32
      %lt3A_118 = arith.constant 100 : i32
      %lt3A_119 = arith.cmpi slt, %add3A_117, %lt3A_118 : i32
      %convert_element_type3A_120 = arith.extui %lt3A_119 : i1 to i32
      %cond3A_121 = arith.constant 0 : i32
      %cond3A_122 = arith.cmpi ne, %convert_element_type3A_120, %cond3A_121 : i32
      scf.if %cond3A_122 {
        %add3A_136 = arith.constant 2 : i32
        %add3A_137 = arith.addi %add3A_110, %add3A_136 : i32
        %mul3A_138 = arith.constant 256 : i32
        %mul3A_139 = arith.muli %add3A_137, %mul3A_138 : i32
        %dma_start3A_140 = tpu.memref_slice %arg5[%mul3A_139] : memref<25600xi32, #tpu.memory_space<vmem>> -> memref<256xi32, #tpu.memory_space<vmem>>
        %dma_start3A_141 = arith.constant 0 : i32
        %dma_start3A_142 = arith.constant 0 : i32
        %dma_start3A_143 = tpu.memref_slice %arg2[%dma_start3A_141, %dma_start3A_142] : memref<1000000x64xf32, #tpu.memory_space<hbm>> -> memref<1000000x64xf32, #tpu.memory_space<hbm>>
        tpu.enqueue_indirect_dma source(%dma_start3A_143 : memref<1000000x64xf32, #tpu.memory_space<hbm>>) target(%arg7 : memref<256x64xf32, #tpu.memory_space<vmem>>) offsets(%dma_start3A_140 : memref<256xi32, #tpu.memory_space<vmem>>) semaphore(%arg11 : memref<!tpu.dma_semaphore, #tpu.memory_space<semaphore_mem>>)
      } else {
      }
      %mul3A_123 = arith.constant 256 : i32
      %mul3A_124 = arith.muli %add3A_110, %mul3A_123 : i32
      %dma_wait3A_125 = tpu.memref_slice %arg5[%mul3A_124] : memref<25600xi32, #tpu.memory_space<vmem>> -> memref<256xi32, #tpu.memory_space<vmem>>
      %dma_wait3A_126 = arith.constant 0 : i32
      %dma_wait3A_127 = arith.constant 0 : i32
      %dma_wait3A_128 = tpu.memref_slice %arg2[%dma_wait3A_126, %dma_wait3A_127] : memref<1000000x64xf32, #tpu.memory_space<hbm>> -> memref<1000000x64xf32, #tpu.memory_space<hbm>>
      tpu.wait_indirect_dma semaphore(%arg13 : memref<!tpu.dma_semaphore, #tpu.memory_space<semaphore_mem>>) src(%dma_wait3A_128 : memref<1000000x64xf32, #tpu.memory_space<hbm>>) dst(%arg9 : memref<256x64xf32, #tpu.memory_space<vmem>>)
      %mul3A_129 = arith.constant 256 : i32
      %mul3A_130 = arith.muli %add3A_110, %mul3A_129 : i32
      %add3A_131 = arith.addi %mul3A_2, %mul3A_130 : i32
      %dma_start3A_132 = arith.constant 0 : i32
      %dma_start3A_133 = tpu.memref_slice %arg4[%add3A_131, %dma_start3A_132] : memref<819200x64xf32, #tpu.memory_space<hbm>> -> memref<256x64xf32, #tpu.memory_space<hbm>>
      %dma_start3A_134 = arith.constant 0 : i32
      %dma_start3A_135 = tpu.memref_slice %arg4[%add3A_131, %dma_start3A_134] : memref<819200x64xf32, #tpu.memory_space<hbm>> -> memref<256x64xf32, #tpu.memory_space<hbm>>
      tpu.enqueue_dma source(%arg9 : memref<256x64xf32, #tpu.memory_space<vmem>>) target(%dma_start3A_135 : memref<256x64xf32, #tpu.memory_space<hbm>>) target_semaphore(%arg17 : memref<!tpu.dma_semaphore, #tpu.memory_space<semaphore_mem>>)
    }
    %scan3A_15 = arith.constant 25 : i32
    %add3A_16 = arith.constant 25088 : i32
    %add3A_17 = arith.addi %mul3A_2, %add3A_16 : i32
    %dma_wait3A = arith.constant 0 : i32
    %dma_wait3A_18 = tpu.memref_slice %arg4[%add3A_17, %dma_wait3A] : memref<819200x64xf32, #tpu.memory_space<hbm>> -> memref<256x64xf32, #tpu.memory_space<hbm>>
    %dma_wait3A_19 = arith.constant 0 : i32
    %dma_wait3A_20 = tpu.memref_slice %arg4[%add3A_17, %dma_wait3A_19] : memref<819200x64xf32, #tpu.memory_space<hbm>> -> memref<256x64xf32, #tpu.memory_space<hbm>>
    tpu.wait_dma2 semaphore(%arg16 : memref<!tpu.dma_semaphore, #tpu.memory_space<semaphore_mem>>) src(%arg8 : memref<256x64xf32, #tpu.memory_space<vmem>>) dst(%dma_wait3A_20 : memref<256x64xf32, #tpu.memory_space<hbm>>)
    %add3A_21 = arith.constant 25344 : i32
    %add3A_22 = arith.addi %mul3A_2, %add3A_21 : i32
    %dma_wait3A_23 = arith.constant 0 : i32
    %dma_wait3A_24 = tpu.memref_slice %arg4[%add3A_22, %dma_wait3A_23] : memref<819200x64xf32, #tpu.memory_space<hbm>> -> memref<256x64xf32, #tpu.memory_space<hbm>>
    %dma_wait3A_25 = arith.constant 0 : i32
    %dma_wait3A_26 = tpu.memref_slice %arg4[%add3A_22, %dma_wait3A_25] : memref<819200x64xf32, #tpu.memory_space<hbm>> -> memref<256x64xf32, #tpu.memory_space<hbm>>
    tpu.wait_dma2 semaphore(%arg17 : memref<!tpu.dma_semaphore, #tpu.memory_space<semaphore_mem>>) src(%arg9 : memref<256x64xf32, #tpu.memory_space<vmem>>) dst(%dma_wait3A_26 : memref<256x64xf32, #tpu.memory_space<hbm>>)
    return
  }
}

</mosaic_0001>

<sc_bundles>
// kernel: kernel.4.cloned.1.call-start
scs
__scs_entry_jumppad:
0x0: {  	(pc) =	sbr.rel $0x88, $3  }
0x1: {  	(tag) =	ssettag $0x0;
	lr =	simm.s32 $0x1  }
0x2: {  	[smem:$0x3F9F] =	sst lr;
	_ =	strace $0xD0000000  }
0x3: {  	_ = 	snop  }
0x4: {  	_ = 	snop  }
0x5: {  	_ = 	snop  }
0x6: {  	_ = 	snop  }
0x7: {  	_ = 	snop  }
__scs_overlays_trampoline_lowered:
0x8: {  	[smem:$0x3FAE] =	sst s0  }
0x9: {  	[smem:$0x3FAF] =	sst s1  }
0xa: {  	[smem:$0x3FB0] =	sst s2  }
0xb: {  	[smem:$0x3FB1] =	sst s3  }
0xc: {  	[smem:$0x3FB2] =	sst s4  }
0xd: {  	[smem:$0x3FB3] =	sst s5  }
0xe: {  	[smem:$0x3FB4] =	sst s6  }
0xf: {  	[smem:$0x3FB5] =	sst s7  }
0x10: {  	[smem:$0x3FB6] =	sst s8  }
0x11: {  	[smem:$0x3FB7] =	sst s9;
	s0 =	simm.s32 @!p0 $0x0  }
0x12: {  	s1 =	sld [smem:$0x3F9D];
	s0 =	simm.s32 @p0 $0x1  }
0x13: {  	[smem:$0x3FB8] =	sst s0;
	s0 =	simm.s32 @!p1 $0x0  }
0x14: {  	s2 =	sld [smem:$0x3F9C];
	s0 =	simm.s32 @p1 $0x1  }
0x15: {  	[smem:$0x3FB9] =	sst s0;
	s0 =	simm.s32 @!p2 $0x0  }
0x16: {  	s3 =	sld [smem:$0x3FDB];
	s0 =	simm.s32 @p2 $0x1  }
0x17: {  	s4 =	simm.s32 $0x1BF5;
	[smem:$0x3FBB] =	sst s0  }
0x18: {  	s0 =	sld [smem:$0x3F9E];
	_ =	swait.ge [sflag:s4], $0x0  }
0x19: {  	s7 =	sld [smem:$0x3F9F]  }
0x1a: {  	s8 =	sadd.s32 $0xFFFFE003, lr  }
0x1b: {  	s9 =	sadd.s32 $0xFFFFFEF7, lr;
	s5 =	simm.s32 $0xFFFFFFFF;
	p2 =	slt.u32 s8, $0xFFFFF086  }
0x1c: {  	p1 =	slt.u32 s9, $0xF7A;
	s5 =	simm.s32 @!p2 $0x0  }
0x1d: {  	s5 =	simm.s32 @p1 $0x1;
	p0 =	seq.s32 s7, s2  }
0x1e: {  	s7 =	smul.u32 @!p0 $0xF7A, s2;
	p2 =	seq.s32 @!p0 s5, $0x0  }
0x1f: {  	s9 =	smul.u32 $0xF7A, s1;
	s8 =	simm.s32 @!p0 $0x1BF5;
	p2 =	por !p2, p0  }
0x20: {  	[sflag:s8] =	ssyncset.s32 @!p0 $0xFFFFF086;
	s6 =	sadd.s32 @!p0 s3, s7;
	s7 =	simm.s32 @!p0 $0x108  }
0x21: {  	s3 =	sadd.s32 s3, s9;
	s6 =	sadd.s32 @!p0 $0x88, s6;
	s7 =	simm.s32 @p2 $0x1082  }
0x22: {  	[simem:s7], [sflag:s8] =	dma.local @!p0 [hbm:s6], $0xF7A  }
0x23: {  	s9 =	sor.u32 $0xD0000000, s2;
	s6 =	simm.s32 $0x108;
	_ =	swait.ge @!p0 [sflag:s8], $0x0  }
0x24: {  	s3 =	sadd.s32 $0x88, s3;
	s6 =	simm.s32 @!p1 $0x1082;
	[sflag:s4] =	ssyncset.s32 $0xFFFFF086  }
0x25: {  	[simem:s6], [sflag:s4] =	dma.local [hbm:s3], $0xF7A  }
0x26: {  	[smem:$0x3F9F] =	sst s1;
	(tag) =	ssettag s2;
	_ =	strace s9  }
0x27: {  	s1 =	sld [smem:$0x3FAF]  }
0x28: {  	s2 =	sld [smem:$0x3FB0]  }
0x29: {  	s4 =	sld [smem:$0x3FB2]  }
0x2a: {  	p0 =	seq.s32 s5, $0x0;
	s5 =	sld [smem:$0x3FB3]  }
0x2b: {  	s6 =	sld [smem:$0x3FB4]  }
0x2c: {  	s7 =	sld [smem:$0x3FB5]  }
0x2d: {  	s3 =	simm.s32 $0x108;
	s8 =	sld [smem:$0x3FB6]  }
0x2e: {  	s3 =	simm.s32 @!p0 $0x1082;
	s9 =	sld [smem:$0x3FB7]  }
0x2f: {  	lr =	sadd.s32 s0, s3;
	s0 =	sld [smem:$0x3FAE]  }
0x30: {  	s3 =	sld [smem:$0x3FB1]  }
0x31: {  	[smem:$0x3FBA] =	sst s10  }
0x32: {  	s10 =	sld [smem:$0x3FB8];
	_ =	sdelay $0x3  }
0x33: {  	p0 =	seq.s32 s10, $0x1;
	s10 =	sld [smem:$0x3FBA];
	_ =	sdelay $0x3  }
0x34: {  	[smem:$0x3FBA] =	sst s10  }
0x35: {  	s10 =	sld [smem:$0x3FB9];
	_ =	sdelay $0x3  }
0x36: {  	p1 =	seq.s32 s10, $0x1;
	s10 =	sld [smem:$0x3FBA];
	_ =	sdelay $0x3  }
0x37: {  	[smem:$0x3FBA] =	sst s10  }
0x38: {  	s10 =	sld [smem:$0x3FBB]  }
0x39: {  	_ = 	snop;
	(pc) =	sbr.ind lr, $3  }
0x3a: {  	_ = 	snop  }
0x3b: {  	_ = 	snop  }
0x3c: {  	p2 =	seq.s32 s10, $0x1;
	s10 =	sld [smem:$0x3FBA]  }
0x3d: {  	_ =	shalt  }
0x3e: {  	_ =	shalt  }
0x3f: {  	_ =	shalt  }
0x40: {  	_ =	shalt  }
0x41: {  	_ =	shalt  }
0x42: {  	_ =	shalt  }
0x43: {  	_ =	shalt  }
0x44: {  	_ =	shalt  }
0x45: {  	_ =	shalt  }
0x46: {  	_ =	shalt  }
0x47: {  	_ =	shalt  }
0x48: {  	_ =	shalt  }
0x49: {  	_ =	shalt  }
0x4a: {  	_ =	shalt  }
0x4b: {  	_ =	shalt  }
0x4c: {  	_ =	shalt  }
0x4d: {  	_ =	shalt  }
0x4e: {  	_ =	shalt  }
0x4f: {  	_ =	shalt  }
0x50: {  	_ =	shalt  }
0x51: {  	_ =	shalt  }
0x52: {  	_ =	shalt  }
0x53: {  	_ =	shalt  }
0x54: {  	_ =	shalt  }
0x55: {  	_ =	shalt  }
0x56: {  	_ =	shalt  }
0x57: {  	_ =	shalt  }
0x58: {  	_ =	shalt  }
0x59: {  	_ =	shalt  }
0x5a: {  	_ =	shalt  }
0x5b: {  	_ =	shalt  }
0x5c: {  	_ =	shalt  }
0x5d: {  	_ =	shalt  }
0x5e: {  	_ =	shalt  }
0x5f: {  	_ =	shalt  }
0x60: {  	_ =	shalt  }
0x61: {  	_ =	shalt  }
0x62: {  	_ =	shalt  }
0x63: {  	_ =	shalt  }
0x64: {  	_ =	shalt  }
0x65: {  	_ =	shalt  }
0x66: {  	_ =	shalt  }
0x67: {  	_ =	shalt  }
0x68: {  	_ =	shalt  }
0x69: {  	_ =	shalt  }
0x6a: {  	_ =	shalt  }
0x6b: {  	_ =	shalt  }
0x6c: {  	_ =	shalt  }
0x6d: {  	_ =	shalt  }
0x6e: {  	_ =	shalt  }
0x6f: {  	_ =	shalt  }
0x70: {  	_ =	shalt  }
0x71: {  	_ =	shalt  }
0x72: {  	_ =	shalt  }
0x73: {  	_ =	shalt  }
0x74: {  	_ =	shalt  }
0x75: {  	_ =	shalt  }
0x76: {  	_ =	shalt  }
0x77: {  	_ =	shalt  }
0x78: {  	_ =	shalt  }
0x79: {  	_ =	shalt  }
0x7a: {  	_ =	shalt  }
0x7b: {  	_ =	shalt  }
0x7c: {  	_ =	shalt  }
0x7d: {  	_ =	shalt  }
0x7e: {  	_ =	shalt  }
0x7f: {  	_ =	shalt  }
0x80: {  	_ =	shalt  }
0x81: {  	_ =	shalt  }
0x82: {  	_ =	shalt  }
0x83: {  	_ =	shalt  }
0x84: {  	_ =	shalt  }
0x85: {  	_ =	shalt  }
0x86: {  	_ =	shalt  }
0x87: {  	_ =	shalt  }
.Lfunc_end0:
.L_simem_size_0:
called_computation.1_lowered:
.L_overlay_start_0:
0x88: {  	s2 =	sld [smem:$0x3FD9]  }
0x89: {  	s3 =	sld [smem:$0x3FFE];
	_ =	sdelay $0x1  }
0x8a: {  	s1 =	srdreg.scid  }
0x8b: {  	s0 =	sand.u32 $0x1, s1  }
0x8c: {  	s17 =	sshll.u32 s0, $0xA;
	s2 =	sadd.s32 s3, s2  }
0x8d: {  	s2 =	sadd.s32 s2, s17  }
0x8e: {  	[smem:$0x3FC6] =	sst s2  }
0x8f: {  	_ = 	snop  }
0x90: {  	s2 =	sld [smem:$0x3FC9];
	(tm) =	ssettm $0x1  }
0x91: {  	s18 =	sld [smem:$0x3FFB];
	_ =	sdelay $0x3  }
0x92: {  	_ =	strace s18  }
0x93: {  	s3 =	sld [smem:$0x3FFC];
	_ =	sdelay $0x3  }
0x94: {  	_ =	strace s3  }
0x95: {  	s3 =	sld [smem:$0x3FFD];
	_ =	sdelay $0x3  }
0x96: {  	_ =	strace s3  }
0x97: {  	_ =	strace $0x8FFFFFFF  }
0x98: {  	s19 =	sld [smem:$0x3FDB];
	_ =	sdelay $0x1  }
0x99: {  	s4 =	simm.s32 $_scs_section_size  }
0x9a: {  	s5 =	simm.s32 $_size__tile_overlayer_lowered;
	s6 =	simm.s32 $_tile_overlayer_lowered  }
0x9b: {  	s22 =	simm.s32 $0x1BFF;
	s21 =	sshll.u32 s6, $0x1;
	s3 =	sadd.s32 s4, s19  }
0x9c: {  	s7 =	simm.s32 $0x0;
	s20 =	sshll.u32 s5, $0x1;
	s5 =	sadd.s32 s21, s3  }
0x9d: {  	[timem:s7], [sflag:s22] =	dma.local [hbm:s5], s20  }
0x9e: {  	_ =	swait.ge [sflag:s22], s20  }
0x9f: {  	s4 =	ssub.s32 $0x0, s20;
	[sflag:s22] =	ssyncset.done $0x0  }
0xa0: {  	[sflag:s22] =	ssyncadd.s32 s4;
	_ =	sdelay $0x1  }
0xa1: {  	s23 =	simm.s32 $0x1B8B  }
0xa2: {  	_ =	swait.ge [sflag:s23], $0x1  }
0xa3: {  	[sflag:s23] =	ssyncset.done $0x0  }
0xa4: {  	s25 =	simm.s32 $0x1B8E;
	s24 =	sld [smem:$0x3FFE];
	[sflag:s23] =	ssyncadd.s32 $0xFFFFFFFF  }
0xa5: {  	s26 =	simm.s32 $execute0_lowered;
	[smem:$0x3FD2] =	sst s25  }
0xa6: {  	s5 =	sshll.u32 s26, $0x1;
	_ =	strace $0x80000046;
	[dreg:$0x1] =	wrdreg $0xFFFFFFFF  }
0xa7: {  	s28 =	simm.s32 $_size_execute0_lowered;
	s3 =	sadd.s32 s3, s5;
	[dreg:$0x0] =	wrdreg $0x0  }
0xa8: {  	s5 =	sshll.u32 s28, $0x1;
	[dreg:$0x2] =	wrdreg s3  }
0xa9: {  	[dreg:$0x3] =	wrdreg s5  }
0xaa: {  	[dreg:$0x4] =	wrdreg $0xC0  }
0xab: {  	_ =	task [dreg:s7], $0x5FFFF  }
0xac: {  	[dreg:$0x1] =	wrdreg $0xFFFFFFFF  }
0xad: {  	[dreg:$0x0] =	wrdreg $0x60  }
0xae: {  	[dreg:$0x2] =	wrdreg s2  }
0xaf: {  	[dreg:$0x3] =	wrdreg s24  }
0xb0: {  	[dreg:$0x4] =	wrdreg $0x9  }
0xb1: {  	_ =	task.clear_ibuf [dreg:s7], $0x5FFFF;
	_ =	strace $0x90000046  }
0xb2: {  	s29 =	simm.s32 $0x9;
	_ =	strace $0x80000048  }
0xb3: {  	_ =	swait.ge [sflag:s29], $0x1  }
0xb4: {  	[sflag:s29] =	ssyncadd.s32 $0xFFFFFFFF  }
0xb5: {  	_ =	strace $0x90000048  }
0xb6: {  	_ =	sfence  }
0xb7: {  	s30 =	sld [smem:$0x0];
	_ =	sdelay $0x2  }
0xb8: {  	s31 =	sshll.u32 s1, $0xD;
	s1 =	sshrl.u32 s1, $0x2  }
0xb9: {  	s3 =	sand.u32 $0x4000, s31;
	s1 =	sadd.s32 s1, s30  }
0xba: {  	s0 =	sor.u32 s3, s0;
	s1 =	sshll.u32 s1, $0x11  }
0xbb: {  	s0 =	sor.u32 s1, s0  }
0xbc: {  	s0 =	sadd.s32 $0x8F2B, s0  }
0xbd: {  	[sflag:s0] =	ssyncadd.remote.s32 $0x1  }
0xbe: {  	_ =	sfence.sel $0xFFFF  }
0xbf: {  	[dreg:$0x0] =	wrdreg $0xFFFFFFFF;
	(pc) =	sbr.abs _section_cstart, $3  }
0xc0: {  	[dreg:$0x1] =	wrdreg $0xFFFFFFFF  }
0xc1: {  	_ =	task.clear_ibuf [dreg:s7], $0x2FFFF;
	_ =	strace $0x9FFFFFFF  }
0xc2: {  	(tm) =	ssettm $0x7FFFFFFF  }
0xc3: {  	_ =	shalt  }
tec
execute0_lowered:
.L_overlay_start_1:
0x0: {  	(tag) =	ssettag $0x1  }
0x1: {  	s3 =	rddreg [dreg:$0x0];
	s1 =	srdreg.scid  }
0x2: {  	s0 =	stileid.u32;
	s4 =	rddreg [dreg:$0x1]  }
0x3: {  	s2 =	simm.s32 $0x0;
	v0 =	vlaneseq.u32;
	s8 =	simm.s32 $0x1;
	s9 =	simm.s32 $0x6400  }
0x4: {  	s10 =	simm.s32 $0x0;
	s5 =	sand.u32 $0x1, s1;
	s6 =	sshll.u32 s0, $0x1;
	v0 =	vmul.u32 $0x80, v0  }
0x5: {  	s1 =	rddreg [dreg:$0x2];
	s6 =	sor.u32 s5, s6;
	s5 =	ssub.s32 $0x2, s5  }
0x6: {  	[smem:$0x7FF] =	sst s2;
	s7 =	smul.u32 $0xC80, s6;
	s31 =	sshrl.u32 s5, $0x1;
	v1 =	vor.u32 $0x800, v0;
	v2 =	vor.u32 $0x1000, v0;
	v3 =	vor.u32 $0x1800, v0  }
0x7: {  	_ =	strace $0x80000047;
	s6 =	sshll.u32 s6, $0x7;
	v4 =	vor.u32 $0x2000, v0;
	v5 =	vor.u32 $0x2800, v0;
	v6 =	vor.u32 $0x3000, v0;
	s5 =	ssub.s32 s5, s31  }
0x8: {  	v7 =	vor.u32 $0x3800, v0;
	v8 =	vor.u32 $0x4000, v0;
	v9 =	vor.u32 $0x4800, v0;
	s3 =	sadd.s32 s3, s6;
	s6 =	simm.s32 $0x400;
	s4 =	sadd.s32 s7, s4  }
0x9: {  	v10 =	vor.u32 $0x5000, v0;
	v11 =	vor.u32 $0x5800, v0;
	v12 =	vadd.s32 $0x5C00, v0;
	s5 =	smax.u32 s5, $0x1;
	s7 =	simm.s32 $0x8000;
	s4 =	sadd.s32 $0xC00, s4  }
.LBB2_1:
0xa: {  	v13 =	vmov s2  }
0xb: {  	v13 =	vand.u32 $0x7F, v13  }
0xc: {  	v13 =	vbroadcast v13, $0x0;
	_ =	sdelay $0x1  }
0xd: {  	v14 =	vor.u32 v0, v13  }
0xe: {  	[tilespmem:s2], [sflag:$0x1] =	stream.strided.gather [hbm4b:s3+s6], $0x6400, s7, s6, $0x38;
	[tilespmem:$0xC800] =	vst v63  }
0xf: {  	_ =	swait.ge [sflag:s8], $0x6400  }
0x10: {  	[sflag:s8] =	ssyncset.done $0x0  }
0x11: {  	[sflag:s8] =	ssyncadd.s32 $0xFFFF9C00  }
0x12: {  	v14 =	vld.idx.msk [tilespmem:v14+s2+$0x0], $0xffff  }
0x13: {  	v15 =	vor.u32 v1, v13;
	_ =	sdelay $0x2  }
0x14: {  	s11 =	simm.s32 $0x6460  }
0x15: {  	[tilespmem:s11+$0xFFFFFFA0] =	vst v14  }
0x16: {  	v14 =	vld.idx.msk [tilespmem:v15+s2+$0x0], $0xffff  }
0x17: {  	v15 =	vor.u32 v2, v13;
	_ =	sdelay $0x3  }
0x18: {  	[tilespmem:s11+$0xFFFFFFB0] =	vst v14  }
0x19: {  	v14 =	vld.idx.msk [tilespmem:v15+s2+$0x0], $0xffff  }
0x1a: {  	v15 =	vor.u32 v3, v13;
	_ =	sdelay $0x3  }
0x1b: {  	[tilespmem:s11+$0xFFFFFFC0] =	vst v14  }
0x1c: {  	v14 =	vld.idx.msk [tilespmem:v15+s2+$0x0], $0xffff  }
0x1d: {  	v15 =	vor.u32 v4, v13;
	_ =	sdelay $0x3  }
0x1e: {  	[tilespmem:s11+$0xFFFFFFD0] =	vst v14  }
0x1f: {  	v14 =	vld.idx.msk [tilespmem:v15+s2+$0x0], $0xffff  }
0x20: {  	v15 =	vor.u32 v5, v13;
	_ =	sdelay $0x3  }
0x21: {  	[tilespmem:s11+$0xFFFFFFE0] =	vst v14  }
0x22: {  	v14 =	vld.idx.msk [tilespmem:v15+s2+$0x0], $0xffff  }
0x23: {  	v15 =	vor.u32 v6, v13;
	_ =	sdelay $0x3  }
0x24: {  	[tilespmem:s11+$0xFFFFFFF0] =	vst v14  }
0x25: {  	v14 =	vld.idx.msk [tilespmem:v15+s2+$0x0], $0xffff  }
0x26: {  	v15 =	vor.u32 v7, v13;
	_ =	sdelay $0x3  }
0x27: {  	[tilespmem:s11+$0x0] =	vst v14  }
0x28: {  	v14 =	vld.idx.msk [tilespmem:v15+s2+$0x0], $0xffff  }
0x29: {  	v15 =	vor.u32 v8, v13;
	_ =	sdelay $0x3  }
0x2a: {  	[tilespmem:s11+$0x10] =	vst v14  }
0x2b: {  	v14 =	vld.idx.msk [tilespmem:v15+s2+$0x0], $0xffff  }
0x2c: {  	v15 =	vor.u32 v9, v13;
	_ =	sdelay $0x2  }
0x2d: {  	s12 =	sand.u32 $0x7FF8, s2  }
0x2e: {  	[tilespmem:s12+$0x6480] =	vst v14  }
0x2f: {  	v14 =	vld.idx.msk [tilespmem:v15+s2+$0x0], $0xffff  }
0x30: {  	v15 =	vor.u32 v10, v13;
	_ =	sdelay $0x3  }
0x31: {  	[tilespmem:s11+$0x30] =	vst v14  }
0x32: {  	v14 =	vld.idx.msk [tilespmem:v15+s2+$0x0], $0xffff  }
0x33: {  	v15 =	vor.u32 v11, v13;
	_ =	sdelay $0x3  }
0x34: {  	[tilespmem:s11+$0x40] =	vst v14  }
0x35: {  	v14 =	vld.idx.msk [tilespmem:v15+s2+$0x0], $0xffff  }
0x36: {  	v13 =	vor.u32 v12, v13;
	_ =	sdelay $0x1  }
0x37: {  	s31 =	simm.s32 $0x1  }
0x38: {  	s13 =	simm.s32 $0x2;
	s12 =	simm.s32 $0x0;
	v15 =	vmov s31  }
.LBB2_2:
0x39: {  	p0 =	sne.s32 s13, $0x7F;
	v15 =	vand.u32 $0x7F, v15;
	[tilespmem:s11+$0x50] =	vst v14  }
0x3a: {  	v15 =	vbroadcast v15, $0x0;
	v13 =	vld.idx.msk [tilespmem:v13+s2+$0x0], $0xffff;
	_ =	sdelay $0x1  }
0x3b: {  	v14 =	vor.u32 v0, v15;
	_ =	sdelay $0x3  }
0x3c: {  	[tilespmem:s11+$0x58] =	vst v13  }
0x3d: {  	v13 =	vld.idx.msk [tilespmem:v14+s2+$0x0], $0xffff;
	_ =	sdelay $0x1  }
0x3e: {  	v14 =	vor.u32 v1, v15;
	_ =	sdelay $0x2  }
0x3f: {  	s11 =	sadd.s32 $0xC8, s11  }
0x40: {  	[tilespmem:s11+$0xFFFFFFA0] =	vst v13  }
0x41: {  	v13 =	vld.idx.msk [tilespmem:v14+s2+$0x0], $0xffff;
	_ =	sdelay $0x1  }
0x42: {  	v14 =	vor.u32 v2, v15;
	_ =	sdelay $0x3  }
0x43: {  	[tilespmem:s11+$0xFFFFFFB0] =	vst v13  }
0x44: {  	v13 =	vld.idx.msk [tilespmem:v14+s2+$0x0], $0xffff;
	_ =	sdelay $0x1  }
0x45: {  	v14 =	vor.u32 v3, v15;
	_ =	sdelay $0x3  }
0x46: {  	[tilespmem:s11+$0xFFFFFFC0] =	vst v13  }
0x47: {  	v13 =	vld.idx.msk [tilespmem:v14+s2+$0x0], $0xffff;
	_ =	sdelay $0x1  }
0x48: {  	v14 =	vor.u32 v4, v15;
	_ =	sdelay $0x3  }
0x49: {  	[tilespmem:s11+$0xFFFFFFD0] =	vst v13  }
0x4a: {  	v13 =	vld.idx.msk [tilespmem:v14+s2+$0x0], $0xffff;
	_ =	sdelay $0x1  }
0x4b: {  	v14 =	vor.u32 v5, v15;
	_ =	sdelay $0x3  }
0x4c: {  	[tilespmem:s11+$0xFFFFFFE0] =	vst v13  }
0x4d: {  	v13 =	vld.idx.msk [tilespmem:v14+s2+$0x0], $0xffff;
	_ =	sdelay $0x1  }
0x4e: {  	v14 =	vor.u32 v6, v15;
	_ =	sdelay $0x3  }
0x4f: {  	[tilespmem:s11+$0xFFFFFFF0] =	vst v13  }
0x50: {  	v13 =	vld.idx.msk [tilespmem:v14+s2+$0x0], $0xffff;
	_ =	sdelay $0x1  }
0x51: {  	v14 =	vor.u32 v7, v15;
	_ =	sdelay $0x3  }
0x52: {  	[tilespmem:s11+$0x0] =	vst v13  }
0x53: {  	v13 =	vld.idx.msk [tilespmem:v14+s2+$0x0], $0xffff;
	_ =	sdelay $0x1  }
0x54: {  	v14 =	vor.u32 v8, v15;
	_ =	sdelay $0x3  }
0x55: {  	[tilespmem:s11+$0x10] =	vst v13  }
0x56: {  	v13 =	vld.idx.msk [tilespmem:v14+s2+$0x0], $0xffff;
	_ =	sdelay $0x1  }
0x57: {  	v14 =	vor.u32 v9, v15;
	_ =	sdelay $0x1  }
0x58: {  	s12 =	sadd.s32 $0xC8, s12  }
0x59: {  	s14 =	sand.u32 $0x7FF8, s12  }
0x5a: {  	[tilespmem:s14+$0x6480] =	vst v13  }
0x5b: {  	v13 =	vld.idx.msk [tilespmem:v14+s2+$0x0], $0xffff;
	_ =	sdelay $0x1  }
0x5c: {  	v14 =	vor.u32 v10, v15;
	_ =	sdelay $0x3  }
0x5d: {  	[tilespmem:s11+$0x30] =	vst v13  }
0x5e: {  	v13 =	vld.idx.msk [tilespmem:v14+s2+$0x0], $0xffff;
	_ =	sdelay $0x1  }
0x5f: {  	v14 =	vor.u32 v11, v15;
	_ =	sdelay $0x3  }
0x60: {  	[tilespmem:s11+$0x40] =	vst v13  }
0x61: {  	v14 =	vld.idx.msk [tilespmem:v14+s2+$0x0], $0xffff  }
.Ltmp0:
0x62: {  	(pc) =	sbr.rel @p0 .LBB2_2-.Ltmp0, $2  }
0x63: {  	v13 =	vor.u32 v12, v15;
	_ =	sdelay $0x2  }
0x64: {  	v15 =	vmov s13;
	s13 =	sadd.s32 $0x1, s13  }
0x65: {  	_ =	sdelay $0x1  }
0x66: {  	v15 =	vand.u32 $0x7F, v15  }
0x67: {  	[tilespmem:s11+$0x50] =	vst v14;
	v14 =	vbroadcast v15, $0x0  }
0x68: {  	v13 =	vld.idx.msk [tilespmem:v13+s2+$0x0], $0xffff  }
0x69: {  	v15 =	vor.u32 v0, v14;
	_ =	sdelay $0x3  }
0x6a: {  	[tilespmem:s11+$0x58] =	vst v13  }
0x6b: {  	v13 =	vld.idx.msk [tilespmem:v15+s2+$0x0], $0xffff  }
0x6c: {  	v15 =	vor.u32 v1, v14;
	_ =	sdelay $0x2  }
0x6d: {  	s31 =	sadd.s32 $0xC8, s11  }
0x6e: {  	[tilespmem:s31+$0xFFFFFFA0] =	vst v13  }
0x6f: {  	v13 =	vld.idx.msk [tilespmem:v15+s2+$0x0], $0xffff  }
0x70: {  	v15 =	vor.u32 v2, v14;
	_ =	sdelay $0x3  }
0x71: {  	[tilespmem:s31+$0xFFFFFFB0] =	vst v13  }
0x72: {  	v13 =	vld.idx.msk [tilespmem:v15+s2+$0x0], $0xffff  }
0x73: {  	v15 =	vor.u32 v3, v14;
	_ =	sdelay $0x3  }
0x74: {  	[tilespmem:s31+$0xFFFFFFC0] =	vst v13  }
0x75: {  	v13 =	vld.idx.msk [tilespmem:v15+s2+$0x0], $0xffff  }
0x76: {  	v15 =	vor.u32 v4, v14;
	_ =	sdelay $0x3  }
0x77: {  	[tilespmem:s31+$0xFFFFFFD0] =	vst v13  }
0x78: {  	v13 =	vld.idx.msk [tilespmem:v15+s2+$0x0], $0xffff  }
0x79: {  	v15 =	vor.u32 v5, v14;
	_ =	sdelay $0x3  }
0x7a: {  	[tilespmem:s31+$0xFFFFFFE0] =	vst v13  }
0x7b: {  	v13 =	vld.idx.msk [tilespmem:v15+s2+$0x0], $0xffff  }
0x7c: {  	v15 =	vor.u32 v6, v14;
	_ =	sdelay $0x3  }
0x7d: {  	[tilespmem:s31+$0xFFFFFFF0] =	vst v13  }
0x7e: {  	v13 =	vld.idx.msk [tilespmem:v15+s2+$0x0], $0xffff  }
0x7f: {  	v15 =	vor.u32 v7, v14;
	_ =	sdelay $0x3  }
0x80: {  	[tilespmem:s31+$0x0] =	vst v13  }
0x81: {  	v13 =	vld.idx.msk [tilespmem:v15+s2+$0x0], $0xffff  }
0x82: {  	v15 =	vor.u32 v8, v14;
	_ =	sdelay $0x3  }
0x83: {  	[tilespmem:s31+$0x10] =	vst v13  }
0x84: {  	v13 =	vld.idx.msk [tilespmem:v15+s2+$0x0], $0xffff  }
0x85: {  	v15 =	vor.u32 v9, v14;
	_ =	sdelay $0x1  }
0x86: {  	s12 =	sadd.s32 $0xC8, s12  }
0x87: {  	s12 =	sand.u32 $0x7FF8, s12  }
0x88: {  	[tilespmem:s12+$0x6480] =	vst v13  }
0x89: {  	v13 =	vld.idx.msk [tilespmem:v15+s2+$0x0], $0xffff  }
0x8a: {  	v15 =	vor.u32 v10, v14;
	_ =	sdelay $0x3  }
0x8b: {  	[tilespmem:s31+$0x30] =	vst v13  }
0x8c: {  	v13 =	vld.idx.msk [tilespmem:v15+s2+$0x0], $0xffff  }
0x8d: {  	v15 =	vor.u32 v11, v14;
	_ =	sdelay $0x3  }
0x8e: {  	[tilespmem:s31+$0x40] =	vst v13  }
0x8f: {  	v13 =	vld.idx.msk [tilespmem:v15+s2+$0x0], $0xffff  }
0x90: {  	v14 =	vor.u32 v12, v14;
	_ =	sdelay $0x3  }
0x91: {  	[tilespmem:s31+$0x50] =	vst v13  }
0x92: {  	v13 =	vld.idx.msk [tilespmem:v14+s2+$0x0], $0xffff;
	_ =	sdelay $0x2  }
0x93: {  	s10 =	sadd.s32 $0x1, s10  }
0x94: {  	p0 =	sne.s32 s10, s5  }
.Ltmp1:
0x95: {  	[tilespmem:s31+$0x58] =	vst v13;
	(pc) =	sbr.rel @p0 .LBB2_1-.Ltmp1, $4  }
0x96: {  	[hbm4b:s4+s2] =	stream.linear.scatter [tilespmem:s9], [sflag:$0x1], $0x6400, $0x38;
	[tilespmem:$0xC800] =	vst v63  }
0x97: {  	_ =	swait.ge [sflag:s8], $0x6400  }
0x98: {  	[sflag:s8] =	ssyncset.done $0x0  }
0x99: {  	[sflag:s8] =	ssyncadd.s32 $0xFFFF9C00  }
0x9a: {  	_ =	sfence.sel $0x180000  }
0x9b: {  	[bflag:$0x0] =	sbarrier.arrive $0xFFFF  }
0x9c: {  	p0 =	sne.s32 s0, $0x0;
	_ =	strace $0x90000047  }
0x9d: {  	s0 =	sadd.s32 @!p0 $0x100000, s1;
	[bflag:$0x2] =	sbarrier.arrive $0xFFFF  }
0x9e: {  	[sflag:s0] =	ssyncadd.tile.s32 @!p0 $0x1;
	_ =	shalt  }
.Lfunc_end2:
_tile_overlayer_lowered:
.L_overlay_start_2:
0x9f: {  	(tag) =	ssettag $0x2  }
0xa0: {  	s0 =	rddreg [dreg:$0x0];
	s2 =	stileid.u32  }
0xa1: {  	s1 =	rddreg [dreg:$0x1];
	p0 =	sne.s32 s2, $0x0  }
0xa2: {  	s3 =	rddreg [dreg:$0x2];
	[bflag:$0x3] =	sbarrier.arrive $0xFFFF;
	s2 =	simm.s32 @!p0 $0x1C01  }
0xa3: {  	[timem:s3], [sflag:s2] =	dma.local @!p0 [hbm:s0], s1  }
0xa4: {  	s0 =	simm.s32 @!p0 $0x1  }
0xa5: {  	_ =	swait.ge @!p0 [sflag:s0], s1  }
0xa6: {  	s1 =	ssub.s32 @!p0 $0x0, s1;
	[sflag:s0] =	ssyncset.done @!p0 $0x0  }
0xa7: {  	[sflag:s0] =	ssyncadd.s32 @!p0 s1  }
0xa8: {  	[bflag:$0x3] =	sbarrier.arrive $0xFFFF  }
0xa9: {  	_ =	shalt  }

// kernel: kernel.7.cloned.1.call-start
scs
__scs_entry_jumppad:
0x0: {  	(pc) =	sbr.rel $0x88, $3  }
0x1: {  	(tag) =	ssettag $0x0;
	lr =	simm.s32 $0x1  }
0x2: {  	[smem:$0x3F9F] =	sst lr;
	_ =	strace $0xD0000000  }
0x3: {  	_ = 	snop  }
0x4: {  	_ = 	snop  }
0x5: {  	_ = 	snop  }
0x6: {  	_ = 	snop  }
0x7: {  	_ = 	snop  }
__scs_overlays_trampoline_lowered:
0x8: {  	[smem:$0x3FAE] =	sst s0  }
0x9: {  	[smem:$0x3FAF] =	sst s1  }
0xa: {  	[smem:$0x3FB0] =	sst s2  }
0xb: {  	[smem:$0x3FB1] =	sst s3  }
0xc: {  	[smem:$0x3FB2] =	sst s4  }
0xd: {  	[smem:$0x3FB3] =	sst s5  }
0xe: {  	[smem:$0x3FB4] =	sst s6  }
0xf: {  	[smem:$0x3FB5] =	sst s7  }
0x10: {  	[smem:$0x3FB6] =	sst s8  }
0x11: {  	[smem:$0x3FB7] =	sst s9;
	s0 =	simm.s32 @!p0 $0x0  }
0x12: {  	s1 =	sld [smem:$0x3F9D];
	s0 =	simm.s32 @p0 $0x1  }
0x13: {  	[smem:$0x3FB8] =	sst s0;
	s0 =	simm.s32 @!p1 $0x0  }
0x14: {  	s2 =	sld [smem:$0x3F9C];
	s0 =	simm.s32 @p1 $0x1  }
0x15: {  	[smem:$0x3FB9] =	sst s0;
	s0 =	simm.s32 @!p2 $0x0  }
0x16: {  	s3 =	sld [smem:$0x3FDB];
	s0 =	simm.s32 @p2 $0x1  }
0x17: {  	s4 =	simm.s32 $0x1BF5;
	[smem:$0x3FBB] =	sst s0  }
0x18: {  	s0 =	sld [smem:$0x3F9E];
	_ =	swait.ge [sflag:s4], $0x0  }
0x19: {  	s7 =	sld [smem:$0x3F9F]  }
0x1a: {  	s8 =	sadd.s32 $0xFFFFE003, lr  }
0x1b: {  	s9 =	sadd.s32 $0xFFFFFEF7, lr;
	s5 =	simm.s32 $0xFFFFFFFF;
	p2 =	slt.u32 s8, $0xFFFFF086  }
0x1c: {  	p1 =	slt.u32 s9, $0xF7A;
	s5 =	simm.s32 @!p2 $0x0  }
0x1d: {  	s5 =	simm.s32 @p1 $0x1;
	p0 =	seq.s32 s7, s2  }
0x1e: {  	s7 =	smul.u32 @!p0 $0xF7A, s2;
	p2 =	seq.s32 @!p0 s5, $0x0  }
0x1f: {  	s9 =	smul.u32 $0xF7A, s1;
	s8 =	simm.s32 @!p0 $0x1BF5;
	p2 =	por !p2, p0  }
0x20: {  	[sflag:s8] =	ssyncset.s32 @!p0 $0xFFFFF086;
	s6 =	sadd.s32 @!p0 s3, s7;
	s7 =	simm.s32 @!p0 $0x108  }
0x21: {  	s3 =	sadd.s32 s3, s9;
	s6 =	sadd.s32 @!p0 $0x88, s6;
	s7 =	simm.s32 @p2 $0x1082  }
0x22: {  	[simem:s7], [sflag:s8] =	dma.local @!p0 [hbm:s6], $0xF7A  }
0x23: {  	s9 =	sor.u32 $0xD0000000, s2;
	s6 =	simm.s32 $0x108;
	_ =	swait.ge @!p0 [sflag:s8], $0x0  }
0x24: {  	s3 =	sadd.s32 $0x88, s3;
	s6 =	simm.s32 @!p1 $0x1082;
	[sflag:s4] =	ssyncset.s32 $0xFFFFF086  }
0x25: {  	[simem:s6], [sflag:s4] =	dma.local [hbm:s3], $0xF7A  }
0x26: {  	[smem:$0x3F9F] =	sst s1;
	(tag) =	ssettag s2;
	_ =	strace s9  }
0x27: {  	s1 =	sld [smem:$0x3FAF]  }
0x28: {  	s2 =	sld [smem:$0x3FB0]  }
0x29: {  	s4 =	sld [smem:$0x3FB2]  }
0x2a: {  	p0 =	seq.s32 s5, $0x0;
	s5 =	sld [smem:$0x3FB3]  }
0x2b: {  	s6 =	sld [smem:$0x3FB4]  }
0x2c: {  	s7 =	sld [smem:$0x3FB5]  }
0x2d: {  	s3 =	simm.s32 $0x108;
	s8 =	sld [smem:$0x3FB6]  }
0x2e: {  	s3 =	simm.s32 @!p0 $0x1082;
	s9 =	sld [smem:$0x3FB7]  }
0x2f: {  	lr =	sadd.s32 s0, s3;
	s0 =	sld [smem:$0x3FAE]  }
0x30: {  	s3 =	sld [smem:$0x3FB1]  }
0x31: {  	[smem:$0x3FBA] =	sst s10  }
0x32: {  	s10 =	sld [smem:$0x3FB8];
	_ =	sdelay $0x3  }
0x33: {  	p0 =	seq.s32 s10, $0x1;
	s10 =	sld [smem:$0x3FBA];
	_ =	sdelay $0x3  }
0x34: {  	[smem:$0x3FBA] =	sst s10  }
0x35: {  	s10 =	sld [smem:$0x3FB9];
	_ =	sdelay $0x3  }
0x36: {  	p1 =	seq.s32 s10, $0x1;
	s10 =	sld [smem:$0x3FBA];
	_ =	sdelay $0x3  }
0x37: {  	[smem:$0x3FBA] =	sst s10  }
0x38: {  	s10 =	sld [smem:$0x3FBB]  }
0x39: {  	_ = 	snop;
	(pc) =	sbr.ind lr, $3  }
0x3a: {  	_ = 	snop  }
0x3b: {  	_ = 	snop  }
0x3c: {  	p2 =	seq.s32 s10, $0x1;
	s10 =	sld [smem:$0x3FBA]  }
0x3d: {  	_ =	shalt  }
0x3e: {  	_ =	shalt  }
0x3f: {  	_ =	shalt  }
0x40: {  	_ =	shalt  }
0x41: {  	_ =	shalt  }
0x42: {  	_ =	shalt  }
0x43: {  	_ =	shalt  }
0x44: {  	_ =	shalt  }
0x45: {  	_ =	shalt  }
0x46: {  	_ =	shalt  }
0x47: {  	_ =	shalt  }
0x48: {  	_ =	shalt  }
0x49: {  	_ =	shalt  }
0x4a: {  	_ =	shalt  }
0x4b: {  	_ =	shalt  }
0x4c: {  	_ =	shalt  }
0x4d: {  	_ =	shalt  }
0x4e: {  	_ =	shalt  }
0x4f: {  	_ =	shalt  }
0x50: {  	_ =	shalt  }
0x51: {  	_ =	shalt  }
0x52: {  	_ =	shalt  }
0x53: {  	_ =	shalt  }
0x54: {  	_ =	shalt  }
0x55: {  	_ =	shalt  }
0x56: {  	_ =	shalt  }
0x57: {  	_ =	shalt  }
0x58: {  	_ =	shalt  }
0x59: {  	_ =	shalt  }
0x5a: {  	_ =	shalt  }
0x5b: {  	_ =	shalt  }
0x5c: {  	_ =	shalt  }
0x5d: {  	_ =	shalt  }
0x5e: {  	_ =	shalt  }
0x5f: {  	_ =	shalt  }
0x60: {  	_ =	shalt  }
0x61: {  	_ =	shalt  }
0x62: {  	_ =	shalt  }
0x63: {  	_ =	shalt  }
0x64: {  	_ =	shalt  }
0x65: {  	_ =	shalt  }
0x66: {  	_ =	shalt  }
0x67: {  	_ =	shalt  }
0x68: {  	_ =	shalt  }
0x69: {  	_ =	shalt  }
0x6a: {  	_ =	shalt  }
0x6b: {  	_ =	shalt  }
0x6c: {  	_ =	shalt  }
0x6d: {  	_ =	shalt  }
0x6e: {  	_ =	shalt  }
0x6f: {  	_ =	shalt  }
0x70: {  	_ =	shalt  }
0x71: {  	_ =	shalt  }
0x72: {  	_ =	shalt  }
0x73: {  	_ =	shalt  }
0x74: {  	_ =	shalt  }
0x75: {  	_ =	shalt  }
0x76: {  	_ =	shalt  }
0x77: {  	_ =	shalt  }
0x78: {  	_ =	shalt  }
0x79: {  	_ =	shalt  }
0x7a: {  	_ =	shalt  }
0x7b: {  	_ =	shalt  }
0x7c: {  	_ =	shalt  }
0x7d: {  	_ =	shalt  }
0x7e: {  	_ =	shalt  }
0x7f: {  	_ =	shalt  }
0x80: {  	_ =	shalt  }
0x81: {  	_ =	shalt  }
0x82: {  	_ =	shalt  }
0x83: {  	_ =	shalt  }
0x84: {  	_ =	shalt  }
0x85: {  	_ =	shalt  }
0x86: {  	_ =	shalt  }
0x87: {  	_ =	shalt  }
.Lfunc_end0:
.L_simem_size_0:
called_computation.2_lowered:
.L_overlay_start_0:
0x88: {  	s2 =	sld [smem:$0x3FD9]  }
0x89: {  	s3 =	sld [smem:$0x3FFE];
	_ =	sdelay $0x1  }
0x8a: {  	s1 =	srdreg.scid  }
0x8b: {  	s0 =	sand.u32 $0x1, s1  }
0x8c: {  	s17 =	sshll.u32 s0, $0xA;
	s2 =	sadd.s32 s3, s2  }
0x8d: {  	s2 =	sadd.s32 s2, s17  }
0x8e: {  	[smem:$0x3FC6] =	sst s2  }
0x8f: {  	_ = 	snop  }
0x90: {  	s2 =	sld [smem:$0x3FD0];
	(tm) =	ssettm $0x1  }
0x91: {  	s18 =	sld [smem:$0x3FFB];
	_ =	sdelay $0x3  }
0x92: {  	_ =	strace s18  }
0x93: {  	s3 =	sld [smem:$0x3FFC];
	_ =	sdelay $0x3  }
0x94: {  	_ =	strace s3  }
0x95: {  	s3 =	sld [smem:$0x3FFD];
	_ =	sdelay $0x3  }
0x96: {  	_ =	strace s3  }
0x97: {  	_ =	strace $0x8FFFFFFF  }
0x98: {  	s19 =	sld [smem:$0x3FDB];
	_ =	sdelay $0x1  }
0x99: {  	s4 =	simm.s32 $_scs_section_size  }
0x9a: {  	s5 =	simm.s32 $_size__tile_overlayer_lowered;
	s6 =	simm.s32 $_tile_overlayer_lowered  }
0x9b: {  	s22 =	simm.s32 $0x1BFF;
	s21 =	sshll.u32 s6, $0x1;
	s3 =	sadd.s32 s4, s19  }
0x9c: {  	s7 =	simm.s32 $0x0;
	s20 =	sshll.u32 s5, $0x1;
	s5 =	sadd.s32 s21, s3  }
0x9d: {  	[timem:s7], [sflag:s22] =	dma.local [hbm:s5], s20  }
0x9e: {  	_ =	swait.ge [sflag:s22], s20  }
0x9f: {  	s4 =	ssub.s32 $0x0, s20;
	[sflag:s22] =	ssyncset.done $0x0  }
0xa0: {  	[sflag:s22] =	ssyncadd.s32 s4;
	_ =	sdelay $0x1  }
0xa1: {  	s23 =	simm.s32 $0x1B8B  }
0xa2: {  	_ =	swait.ge [sflag:s23], $0x1  }
0xa3: {  	[sflag:s23] =	ssyncset.done $0x0  }
0xa4: {  	s25 =	simm.s32 $0x1B8E;
	s24 =	sld [smem:$0x3FFE];
	[sflag:s23] =	ssyncadd.s32 $0xFFFFFFFF  }
0xa5: {  	s26 =	simm.s32 $execute0_lowered;
	[smem:$0x3FD2] =	sst s25  }
0xa6: {  	s5 =	sshll.u32 s26, $0x1;
	_ =	strace $0x80000049;
	[dreg:$0x1] =	wrdreg $0xFFFFFFFF  }
0xa7: {  	s28 =	simm.s32 $_size_execute0_lowered;
	s3 =	sadd.s32 s3, s5;
	[dreg:$0x0] =	wrdreg $0x0  }
0xa8: {  	s5 =	sshll.u32 s28, $0x1;
	[dreg:$0x2] =	wrdreg s3  }
0xa9: {  	[dreg:$0x3] =	wrdreg s5  }
0xaa: {  	[dreg:$0x4] =	wrdreg $0xC0  }
0xab: {  	_ =	task [dreg:s7], $0x5FFFF  }
0xac: {  	[dreg:$0x1] =	wrdreg $0xFFFFFFFF  }
0xad: {  	[dreg:$0x0] =	wrdreg $0x60  }
0xae: {  	[dreg:$0x2] =	wrdreg s24  }
0xaf: {  	[dreg:$0x3] =	wrdreg s2  }
0xb0: {  	[dreg:$0x4] =	wrdreg $0x9  }
0xb1: {  	_ =	task.clear_ibuf [dreg:s7], $0x5FFFF;
	_ =	strace $0x90000049  }
0xb2: {  	s29 =	simm.s32 $0x9;
	_ =	strace $0x8000004B  }
0xb3: {  	_ =	swait.ge [sflag:s29], $0x1  }
0xb4: {  	[sflag:s29] =	ssyncadd.s32 $0xFFFFFFFF  }
0xb5: {  	_ =	strace $0x9000004B  }
0xb6: {  	_ =	sfence  }
0xb7: {  	s30 =	sld [smem:$0x0];
	_ =	sdelay $0x2  }
0xb8: {  	s31 =	sshll.u32 s1, $0xD;
	s1 =	sshrl.u32 s1, $0x2  }
0xb9: {  	s3 =	sand.u32 $0x4000, s31;
	s1 =	sadd.s32 s1, s30  }
0xba: {  	s0 =	sor.u32 s3, s0;
	s1 =	sshll.u32 s1, $0x11  }
0xbb: {  	s0 =	sor.u32 s1, s0  }
0xbc: {  	s0 =	sadd.s32 $0x8F2B, s0  }
0xbd: {  	[sflag:s0] =	ssyncadd.remote.s32 $0x1  }
0xbe: {  	_ =	sfence.sel $0xFFFF  }
0xbf: {  	[dreg:$0x0] =	wrdreg $0xFFFFFFFF;
	(pc) =	sbr.abs _section_cstart, $3  }
0xc0: {  	[dreg:$0x1] =	wrdreg $0xFFFFFFFF  }
0xc1: {  	_ =	task.clear_ibuf [dreg:s7], $0x2FFFF;
	_ =	strace $0x9FFFFFFF  }
0xc2: {  	(tm) =	ssettm $0x7FFFFFFF  }
0xc3: {  	_ =	shalt  }
tec
execute0_lowered:
.L_overlay_start_1:
0x0: {  	(tag) =	ssettag $0x1  }
0x1: {  	s1 =	srdreg.scid;
	s4 =	rddreg [dreg:$0x0]  }
0x2: {  	s0 =	stileid.u32;
	s8 =	rddreg [dreg:$0x1];
	s11 =	simm.s32 $0x100  }
0x3: {  	s12 =	simm.s32 $0x6400;
	s13 =	simm.s32 $0xA400;
	s14 =	simm.s32 $0xE400  }
0x4: {  	s15 =	simm.s32 $0x1;
	s16 =	simm.s32 $0x12400;
	s17 =	simm.s32 $0x2  }
0x5: {  	s18 =	simm.s32 $0x5;
	s19 =	simm.s32 $0x3;
	s20 =	simm.s32 $0x6  }
0x6: {  	s21 =	simm.s32 $0x4;
	s22 =	simm.s32 $0x7;
	s6 =	smul.u32 $0x64000, s0  }
0x7: {  	s1 =	sand.u32 $0x1, s1;
	s2 =	sshll.u32 s0, $0x1;
	s10 =	smul.u32 $0x320000, s0  }
0x8: {  	s23 =	simm.s32 $0x8;
	s3 =	sor.u32 s1, s2;
	s7 =	smul.u32 $0x32000, s1  }
0x9: {  	s2 =	simm.s32 $0x0;
	s9 =	ssub.s32 $0x2, s1;
	s1 =	smul.u32 $0x190000, s1  }
0xa: {  	s24 =	simm.s32 $0x0;
	s5 =	smul.u32 $0xC80, s3;
	[smem:$0x7FF] =	sst s2  }
0xb: {  	s3 =	sadd.s32 $0xF5C000, s4;
	s25 =	sshrl.u32 s9, $0x1;
	s6 =	sadd.s32 s6, s8  }
0xc: {  	_ =	strace $0x8000004A;
	s6 =	sadd.s32 s7, s6;
	s1 =	sadd.s32 s1, s10  }
0xd: {  	s4 =	sadd.s32 s5, s4;
	s5 =	ssub.s32 s9, s25;
	s6 =	sadd.s32 $0x800, s6  }
0xe: {  	s29 =	sor.u32 $0xC000, s1;
	s30 =	sor.u32 $0x8000, s1;
	s1 =	sshrl.u32 s1, $0x3  }
0xf: {  	s26 =	sadd.s32 $0xC00, s4;
	s28 =	smax.u32 s5, $0x1;
	s31 =	sshrl.u32 s29, $0x3  }
0x10: {  	s9 =	sshrl.u32 s30, $0x3;
	s7 =	sadd.s32 s1, s8;
	[dreg:$0x3] =	wrdreg s26  }
0x11: {  	[dreg:$0x4] =	wrdreg s28;
	s1 =	sadd.s32 s31, s8;
	s9 =	sadd.s32 s9, s8  }
.LBB2_1:
0x12: {  	s0 =	rddreg [dreg:$0x3];
	s10 =	simm.s32 $0x9  }
0x13: {  	[tilespmem:s2], [sflag:$0x9] =	stream.linear.gather [hbm4b:s0+s2], $0x6400, $0x38;
	[tilespmem:$0x16400] =	vst v63  }
0x14: {  	_ =	swait.ge [sflag:s10], $0x6400  }
0x15: {  	[sflag:s10] =	ssyncset.done $0x0  }
0x16: {  	p0 =	por $0x1, $0x1;
	[sflag:s10] =	ssyncadd.s32 $0xFFFF9C00  }
0x17: {  	[tilespmem:s12], [sflag:$0x1] =	stream.indirect.gather [hbm4b:s3+s11], $0x40, s2, s11, $0xb8;
	[tilespmem:$0x16400] =	vst v63  }
0x18: {  	s8 =	simm.s32 @!p0 $0x7  }
0x19: {  	[tilespmem:s13], [sflag:$0x2] =	stream.indirect.gather [hbm4b:s3+s11], $0x40, s11, s11, $0xb8;
	[tilespmem:$0x16400] =	vst v63  }
0x1a: {  	_ =	swait.ge @!p0 [sflag:s8], $0x4000  }
0x1b: {  	[sflag:s8] =	ssyncset.done @!p0 $0x0  }
0x1c: {  	s25 =	simm.s32 $0x200;
	[sflag:s8] =	ssyncadd.s32 @!p0 $0xFFFFC000  }
0x1d: {  	[tilespmem:s14], [sflag:$0x3] =	stream.indirect.gather [hbm4b:s3+s11], $0x40, s25, s11, $0xb8;
	[tilespmem:$0x16400] =	vst v63  }
0x1e: {  	_ =	swait.ge [sflag:s15], $0x4000  }
0x1f: {  	[sflag:s15] =	ssyncset.done $0x0  }
0x20: {  	s8 =	simm.s32 @!p0 $0x8;
	[sflag:s15] =	ssyncadd.s32 $0xFFFFC000  }
0x21: {  	[hbm4b:s7+s2] =	stream.linear.scatter [tilespmem:s12], [sflag:$0x5], $0x4000, $0x38;
	[tilespmem:$0x16400] =	vst v63  }
0x22: {  	_ =	swait.ge @!p0 [sflag:s8], $0x4000  }
0x23: {  	[sflag:s8] =	ssyncset.done @!p0 $0x0  }
0x24: {  	s26 =	simm.s32 $0x300;
	[sflag:s8] =	ssyncadd.s32 @!p0 $0xFFFFC000  }
0x25: {  	[tilespmem:s16], [sflag:$0x4] =	stream.indirect.gather [hbm4b:s3+s11], $0x40, s26, s11, $0xb8;
	[tilespmem:$0x16400] =	vst v63  }
0x26: {  	_ =	swait.ge [sflag:s17], $0x4000  }
0x27: {  	[sflag:s17] =	ssyncset.done $0x0  }
0x28: {  	[sflag:s17] =	ssyncadd.s32 $0xFFFFC000  }
0x29: {  	[hbm4b:s6+s2] =	stream.linear.scatter [tilespmem:s13], [sflag:$0x6], $0x4000, $0x38;
	[tilespmem:$0x16400] =	vst v63  }
0x2a: {  	p0 =	por $0x0, $0x0;
	_ =	swait.ge [sflag:s18], $0x4000  }
0x2b: {  	s8 =	simm.s32 @!p0 $0x6400;
	[sflag:s18] =	ssyncset.done $0x0  }
0x2c: {  	s25 =	simm.s32 @!p0 $0x400;
	s29 =	simm.s32 @!p0 $0x100;
	[sflag:s18] =	ssyncadd.s32 $0xFFFFC000  }
0x2d: {  	[tilespmem:s8], [sflag:$0x1] =	stream.indirect.gather @!p0 [hbm4b:s3+s29], $0x40, s25, s29, $0xb8;
	[tilespmem:$0x16400] =	vst v63  }
0x2e: {  	_ =	swait.ge [sflag:s19], $0x4000  }
0x2f: {  	[sflag:s19] =	ssyncset.done $0x0  }
0x30: {  	[sflag:s19] =	ssyncadd.s32 $0xFFFFC000  }
0x31: {  	[hbm4b:s9+s2] =	stream.linear.scatter [tilespmem:s14], [sflag:$0x7], $0x4000, $0x38;
	[tilespmem:$0x16400] =	vst v63  }
0x32: {  	s28 =	simm.s32 $0x1000;
	s31 =	simm.s32 $0x2000;
	_ =	swait.ge [sflag:s20], $0x4000  }
0x33: {  	s30 =	sadd.s32 $0x2000, s7;
	p1 =	por $0x0, $0x0;
	[sflag:s20] =	ssyncset.done $0x0  }
0x34: {  	s8 =	simm.s32 @!p0 $0x500;
	s25 =	simm.s32 @!p0 $0xA400;
	[sflag:s20] =	ssyncadd.s32 $0xFFFFC000  }
0x35: {  	[tilespmem:s25], [sflag:$0x2] =	stream.indirect.gather @!p0 [hbm4b:s3+s29], $0x40, s8, s29, $0xb8;
	[tilespmem:$0x16400] =	vst v63  }
0x36: {  	s26 =	sadd.s32 $0x2000, s9;
	s25 =	sadd.s32 $0x2000, s1;
	_ =	swait.ge [sflag:s21], $0x4000  }
0x37: {  	s29 =	sadd.s32 $0x2000, s6;
	s8 =	smov.u32 s1;
	[sflag:s21] =	ssyncset.done $0x0  }
.LBB2_2:
0x38: {  	s0 =	simm.s32 @!p1 $0x7  }
0x39: {  	[sflag:s21] =	ssyncadd.s32 $0xFFFFC000;
	s4 =	smov.u32 s31;
	s31 =	sadd.s32 $0x1000, s31  }
0x3a: {  	[hbm4b:s8+s2] =	stream.linear.scatter [tilespmem:s16], [sflag:$0x8], $0x4000, $0x38;
	[tilespmem:$0x16400] =	vst v63  }
0x3b: {  	p0 =	sne.s32 s31, $0x19000;
	s8 =	smov.u32 s25;
	_ =	swait.ge @!p1 [sflag:s0], $0x4000  }
0x3c: {  	s5 =	sshra.s32 s28, $0x2;
	[sflag:s0] =	ssyncset.done @!p1 $0x0  }
0x3d: {  	[sflag:s0] =	ssyncadd.s32 @!p1 $0xFFFFC000;
	s0 =	sadd.s32 $0x200, s5  }
0x3e: {  	[tilespmem:s14], [sflag:$0x3] =	stream.indirect.gather [hbm4b:s3+s11], $0x40, s0, s11, $0xb8;
	[tilespmem:$0x16400] =	vst v63  }
0x3f: {  	_ =	swait.ge [sflag:s15], $0x4000  }
0x40: {  	[sflag:s15] =	ssyncset.done $0x0  }
0x41: {  	s0 =	simm.s32 @!p1 $0x8;
	[sflag:s15] =	ssyncadd.s32 $0xFFFFC000  }
0x42: {  	[hbm4b:s30+s2] =	stream.linear.scatter [tilespmem:s12], [sflag:$0x5], $0x4000, $0x38;
	[tilespmem:$0x16400] =	vst v63  }
0x43: {  	_ =	swait.ge @!p1 [sflag:s0], $0x4000  }
0x44: {  	[sflag:s0] =	ssyncset.done @!p1 $0x0  }
0x45: {  	[sflag:s0] =	ssyncadd.s32 @!p1 $0xFFFFC000;
	s0 =	sadd.s32 $0x300, s5  }
0x46: {  	[tilespmem:s16], [sflag:$0x4] =	stream.indirect.gather [hbm4b:s3+s11], $0x40, s0, s11, $0xb8;
	[tilespmem:$0x16400] =	vst v63  }
0x47: {  	_ =	swait.ge [sflag:s17], $0x4000  }
0x48: {  	[sflag:s17] =	ssyncset.done $0x0  }
0x49: {  	[sflag:s17] =	ssyncadd.s32 $0xFFFFC000  }
0x4a: {  	[hbm4b:s29+s2] =	stream.linear.scatter [tilespmem:s13], [sflag:$0x6], $0x4000, $0x38;
	[tilespmem:$0x16400] =	vst v63  }
0x4b: {  	p1 =	seq.s32 s28, $0x18000;
	_ =	swait.ge [sflag:s18], $0x4000  }
0x4c: {  	s0 =	sshra.s32 @!p1 s28, $0x2;
	s5 =	simm.s32 @!p1 $0x6400;
	[sflag:s18] =	ssyncset.done $0x0  }
0x4d: {  	s10 =	simm.s32 @!p1 $0x100;
	s28 =	sadd.s32 @!p1 $0x400, s0;
	[sflag:s18] =	ssyncadd.s32 $0xFFFFC000  }
0x4e: {  	[tilespmem:s5], [sflag:$0x1] =	stream.indirect.gather @!p1 [hbm4b:s3+s10], $0x40, s28, s10, $0xb8;
	[tilespmem:$0x16400] =	vst v63  }
0x4f: {  	s0 =	sadd.s32 @!p1 $0x500, s0;
	s28 =	smov.u32 s4;
	_ =	swait.ge [sflag:s19], $0x4000  }
0x50: {  	[sflag:s19] =	ssyncset.done $0x0  }
0x51: {  	[sflag:s19] =	ssyncadd.s32 $0xFFFFC000  }
0x52: {  	[hbm4b:s26+s2] =	stream.linear.scatter [tilespmem:s14], [sflag:$0x7], $0x4000, $0x38;
	[tilespmem:$0x16400] =	vst v63  }
0x53: {  	_ =	swait.ge [sflag:s20], $0x4000  }
.Ltmp0:
0x54: {  	[sflag:s20] =	ssyncset.done $0x0;
	(pc) =	sbr.rel @p0 .LBB2_2-.Ltmp0, $4  }
0x55: {  	s4 =	simm.s32 @!p1 $0xA400;
	s26 =	sadd.s32 $0x2000, s26;
	[sflag:s20] =	ssyncadd.s32 $0xFFFFC000  }
0x56: {  	[tilespmem:s4], [sflag:$0x2] =	stream.indirect.gather @!p1 [hbm4b:s3+s10], $0x40, s0, s10, $0xb8;
	[tilespmem:$0x16400] =	vst v63  }
0x57: {  	s25 =	sadd.s32 $0x2000, s25;
	s30 =	sadd.s32 $0x2000, s30;
	_ =	swait.ge [sflag:s21], $0x4000  }
0x58: {  	s29 =	sadd.s32 $0x2000, s29;
	p1 =	seq.s32 s28, $0x0;
	[sflag:s21] =	ssyncset.done $0x0  }
0x59: {  	s0 =	simm.s32 @!p1 $0x7;
	[sflag:s21] =	ssyncadd.s32 $0xFFFFC000  }
0x5a: {  	[hbm4b:s8+s2] =	stream.linear.scatter [tilespmem:s16], [sflag:$0x8], $0x4000, $0x38;
	[tilespmem:$0x16400] =	vst v63  }
0x5b: {  	_ =	swait.ge @!p1 [sflag:s0], $0x4000  }
0x5c: {  	s4 =	sshra.s32 s28, $0x2;
	[sflag:s0] =	ssyncset.done @!p1 $0x0  }
0x5d: {  	s10 =	sadd.s32 $0x200, s4;
	[sflag:s0] =	ssyncadd.s32 @!p1 $0xFFFFC000  }
0x5e: {  	[tilespmem:s14], [sflag:$0x3] =	stream.indirect.gather [hbm4b:s3+s11], $0x40, s10, s11, $0xb8;
	[tilespmem:$0x16400] =	vst v63  }
0x5f: {  	_ =	swait.ge [sflag:s15], $0x4000  }
0x60: {  	[sflag:s15] =	ssyncset.done $0x0  }
0x61: {  	s0 =	simm.s32 @!p1 $0x8;
	[sflag:s15] =	ssyncadd.s32 $0xFFFFC000  }
0x62: {  	[hbm4b:s30+s2] =	stream.linear.scatter [tilespmem:s12], [sflag:$0x5], $0x4000, $0x38;
	[tilespmem:$0x16400] =	vst v63  }
0x63: {  	_ =	swait.ge @!p1 [sflag:s0], $0x4000  }
0x64: {  	[sflag:s0] =	ssyncset.done @!p1 $0x0  }
0x65: {  	s30 =	sadd.s32 $0x300, s4;
	[sflag:s0] =	ssyncadd.s32 @!p1 $0xFFFFC000  }
0x66: {  	[tilespmem:s16], [sflag:$0x4] =	stream.indirect.gather [hbm4b:s3+s11], $0x40, s30, s11, $0xb8;
	[tilespmem:$0x16400] =	vst v63  }
0x67: {  	_ =	swait.ge [sflag:s17], $0x4000  }
0x68: {  	[sflag:s17] =	ssyncset.done $0x0  }
0x69: {  	[sflag:s17] =	ssyncadd.s32 $0xFFFFC000  }
0x6a: {  	[hbm4b:s29+s2] =	stream.linear.scatter [tilespmem:s13], [sflag:$0x6], $0x4000, $0x38;
	[tilespmem:$0x16400] =	vst v63  }
0x6b: {  	p0 =	seq.s32 s28, $0x18000;
	_ =	swait.ge [sflag:s18], $0x4000  }
0x6c: {  	s8 =	simm.s32 @!p0 $0x100;
	s0 =	sshra.s32 @!p0 s28, $0x2;
	[sflag:s18] =	ssyncset.done $0x0  }
0x6d: {  	s4 =	simm.s32 @!p0 $0x6400;
	s5 =	sadd.s32 @!p0 $0x400, s0;
	[sflag:s18] =	ssyncadd.s32 $0xFFFFC000  }
0x6e: {  	[tilespmem:s4], [sflag:$0x1] =	stream.indirect.gather @!p0 [hbm4b:s3+s8], $0x40, s5, s8, $0xb8;
	[tilespmem:$0x16400] =	vst v63  }
0x6f: {  	_ =	swait.ge [sflag:s19], $0x4000  }
0x70: {  	[sflag:s19] =	ssyncset.done $0x0  }
0x71: {  	[sflag:s19] =	ssyncadd.s32 $0xFFFFC000  }
0x72: {  	[hbm4b:s26+s2] =	stream.linear.scatter [tilespmem:s14], [sflag:$0x7], $0x4000, $0x38;
	[tilespmem:$0x16400] =	vst v63  }
0x73: {  	_ =	swait.ge [sflag:s20], $0x4000  }
0x74: {  	[sflag:s20] =	ssyncset.done $0x0  }
0x75: {  	s0 =	sadd.s32 @!p0 $0x500, s0;
	s4 =	simm.s32 @!p0 $0xA400;
	[sflag:s20] =	ssyncadd.s32 $0xFFFFC000  }
0x76: {  	[tilespmem:s4], [sflag:$0x2] =	stream.indirect.gather @!p0 [hbm4b:s3+s8], $0x40, s0, s8, $0xb8;
	[tilespmem:$0x16400] =	vst v63  }
0x77: {  	_ =	swait.ge [sflag:s21], $0x4000  }
0x78: {  	[sflag:s21] =	ssyncset.done $0x0  }
0x79: {  	[sflag:s21] =	ssyncadd.s32 $0xFFFFC000  }
0x7a: {  	[hbm4b:s25+s2] =	stream.linear.scatter [tilespmem:s16], [sflag:$0x8], $0x4000, $0x38;
	[tilespmem:$0x16400] =	vst v63  }
0x7b: {  	_ =	swait.ge [sflag:s22], $0x4000  }
0x7c: {  	[sflag:s22] =	ssyncset.done $0x0  }
0x7d: {  	[sflag:s22] =	ssyncadd.s32 $0xFFFFC000  }
0x7e: {  	_ =	swait.ge [sflag:s23], $0x4000  }
0x7f: {  	s24 =	sadd.s32 $0x1, s24;
	s31 =	rddreg [dreg:$0x4]  }
0x80: {  	p0 =	sne.s32 s24, s31  }
.Ltmp1:
0x81: {  	_ = 	snop;
	(pc) =	sbr.rel @p0 .LBB2_1-.Ltmp1, $3  }
0x82: {  	_ =	sdelay $0x1  }
0x83: {  	[sflag:s23] =	ssyncset.done $0x0  }
0x84: {  	[sflag:s23] =	ssyncadd.s32 $0xFFFFC000  }
0x85: {  	_ =	sfence.sel $0x180000  }
0x86: {  	[bflag:$0x0] =	sbarrier.arrive $0xFFFF  }
0x87: {  	_ =	strace $0x9000004A  }
0x88: {  	s0 =	stileid.u32;
	[bflag:$0x2] =	sbarrier.arrive $0xFFFF  }
0x89: {  	p0 =	sne.s32 s0, $0x0;
	s0 =	rddreg [dreg:$0x2]  }
0x8a: {  	s0 =	sadd.s32 @!p0 $0x100000, s0  }
0x8b: {  	[sflag:s0] =	ssyncadd.tile.s32 @!p0 $0x1;
	_ =	shalt  }
.Lfunc_end2:
_tile_overlayer_lowered:
.L_overlay_start_2:
0x8c: {  	(tag) =	ssettag $0x2  }
0x8d: {  	s0 =	rddreg [dreg:$0x0];
	s2 =	stileid.u32  }
0x8e: {  	s1 =	rddreg [dreg:$0x1];
	p0 =	sne.s32 s2, $0x0  }
0x8f: {  	s3 =	rddreg [dreg:$0x2];
	[bflag:$0x3] =	sbarrier.arrive $0xFFFF;
	s2 =	simm.s32 @!p0 $0x1C09  }
0x90: {  	[timem:s3], [sflag:s2] =	dma.local @!p0 [hbm:s0], s1  }
0x91: {  	s0 =	simm.s32 @!p0 $0x9  }
0x92: {  	_ =	swait.ge @!p0 [sflag:s0], s1  }
0x93: {  	s1 =	ssub.s32 @!p0 $0x0, s1;
	[sflag:s0] =	ssyncset.done @!p0 $0x0  }
0x94: {  	[sflag:s0] =	ssyncadd.s32 @!p0 s1  }
0x95: {  	[bflag:$0x3] =	sbarrier.arrive $0xFFFF  }
0x96: {  	_ =	shalt  }

// kernel: sparse-core-data-format-call.cloned.1.call-start
scs
called_computation_lowered:
.L_overlay_start_0:
0x0: {  	s2 =	sld [smem:$0x3FD9]  }
0x1: {  	s3 =	sld [smem:$0x3FFE];
	_ =	sdelay $0x1  }
0x2: {  	s1 =	srdreg.scid  }
0x3: {  	s0 =	sand.u32 $0x1, s1  }
0x4: {  	s18 =	sshll.u32 s0, $0xA;
	s2 =	sadd.s32 s3, s2  }
0x5: {  	s2 =	sadd.s32 s2, s18  }
0x6: {  	[smem:$0x3FC6] =	sst s2  }
0x7: {  	_ = 	snop  }
0x8: {  	s2 =	sld [smem:$0x3FD0];
	(tm) =	ssettm $0x1  }
0x9: {  	s19 =	sld [smem:$0x3FFB];
	_ =	sdelay $0x3  }
0xa: {  	_ =	strace s19  }
0xb: {  	s3 =	sld [smem:$0x3FFC];
	_ =	sdelay $0x3  }
0xc: {  	_ =	strace s3  }
0xd: {  	s3 =	sld [smem:$0x3FFD];
	_ =	sdelay $0x3  }
0xe: {  	_ =	strace s3  }
0xf: {  	_ =	strace $0x8FFFFFFF  }
0x10: {  	s20 =	sld [smem:$0x3FDB];
	_ =	sdelay $0x1  }
0x11: {  	s4 =	simm.s32 $_scs_section_size  }
0x12: {  	s5 =	simm.s32 $_size__tile_overlayer_lowered;
	s6 =	simm.s32 $_tile_overlayer_lowered  }
0x13: {  	s23 =	simm.s32 $0x1BFF;
	s22 =	sshll.u32 s6, $0x1;
	s3 =	sadd.s32 s4, s20  }
0x14: {  	s7 =	simm.s32 $0x0;
	s21 =	sshll.u32 s5, $0x1;
	s5 =	sadd.s32 s22, s3  }
0x15: {  	[timem:s7], [sflag:s23] =	dma.local [hbm:s5], s21  }
0x16: {  	_ =	swait.ge [sflag:s23], s21  }
0x17: {  	s4 =	ssub.s32 $0x0, s21;
	[sflag:s23] =	ssyncset.done $0x0  }
0x18: {  	[sflag:s23] =	ssyncadd.s32 s4;
	_ =	sdelay $0x1  }
0x19: {  	s24 =	simm.s32 $0x1B8B  }
0x1a: {  	_ =	swait.ge [sflag:s24], $0x1  }
0x1b: {  	[sflag:s24] =	ssyncset.done $0x0  }
0x1c: {  	s26 =	simm.s32 $0x1B8E;
	s25 =	sld [smem:$0x3FFE];
	[sflag:s24] =	ssyncadd.s32 $0xFFFFFFFF  }
0x1d: {  	s27 =	simm.s32 $execute0_lowered;
	[smem:$0x3FD2] =	sst s26  }
0x1e: {  	s5 =	sshll.u32 s27, $0x1;
	_ =	strace $0x8000004C;
	[dreg:$0x1] =	wrdreg $0xFFFFFFFF  }
0x1f: {  	s28 =	simm.s32 $_size_execute0_lowered;
	s3 =	sadd.s32 s3, s5;
	[dreg:$0x0] =	wrdreg $0x0  }
0x20: {  	s5 =	sshll.u32 s28, $0x1;
	[dreg:$0x2] =	wrdreg s3  }
0x21: {  	[dreg:$0x3] =	wrdreg s5  }
0x22: {  	[dreg:$0x4] =	wrdreg $0xC0  }
0x23: {  	_ =	task [dreg:s7], $0x5FFFF  }
0x24: {  	[dreg:$0x1] =	wrdreg $0xFFFFFFFF  }
0x25: {  	[dreg:$0x0] =	wrdreg $0x60  }
0x26: {  	[dreg:$0x2] =	wrdreg s25  }
0x27: {  	[dreg:$0x3] =	wrdreg s2  }
0x28: {  	[dreg:$0x4] =	wrdreg $0x9  }
0x29: {  	_ =	task.clear_ibuf [dreg:s7], $0x5FFFF;
	_ =	strace $0x9000004C  }
0x2a: {  	s29 =	simm.s32 $0x9;
	_ =	strace $0x8000004E  }
0x2b: {  	_ =	swait.ge [sflag:s29], $0x1  }
0x2c: {  	[sflag:s29] =	ssyncadd.s32 $0xFFFFFFFF  }
0x2d: {  	_ =	strace $0x9000004E  }
0x2e: {  	_ =	sfence  }
0x2f: {  	s30 =	sld [smem:$0x0];
	_ =	sdelay $0x2  }
0x30: {  	s31 =	sshll.u32 s1, $0xD;
	s1 =	sshrl.u32 s1, $0x2  }
0x31: {  	s3 =	sand.u32 $0x4000, s31;
	s1 =	sadd.s32 s1, s30  }
0x32: {  	s0 =	sor.u32 s3, s0;
	s1 =	sshll.u32 s1, $0x11  }
0x33: {  	s0 =	sor.u32 s1, s0  }
0x34: {  	s0 =	sadd.s32 $0x8F2B, s0  }
0x35: {  	[sflag:s0] =	ssyncadd.remote.s32 $0x1  }
0x36: {  	_ =	sfence.sel $0xFFFF  }
0x37: {  	[dreg:$0x0] =	wrdreg $0xFFFFFFFF;
	(pc) =	sbr.abs _section_cstart, $3  }
0x38: {  	[dreg:$0x1] =	wrdreg $0xFFFFFFFF  }
0x39: {  	_ =	task.clear_ibuf [dreg:s7], $0x2FFFF;
	_ =	strace $0x9FFFFFFF  }
0x3a: {  	(tm) =	ssettm $0x7FFFFFFF  }
0x3b: {  	_ =	shalt  }
tec
execute0_lowered:
.L_overlay_start_1:
0x0: {  	(tag) =	ssettag $0x1  }
0x1: {  	s0 =	srdreg.scid  }
0x2: {  	s1 =	sshll.u32 s0, $0x4  }
0x3: {  	s0 =	stileid.u32;
	s1 =	sand.u32 $0x10, s1  }
0x4: {  	s1 =	sor.u32 s0, s1  }
0x5: {  	s6 =	rddreg [dreg:$0x0];
	s4 =	simm.s32 $0x1;
	s2 =	sshll.u32 s1, $0x7  }
0x6: {  	s7 =	simm.s32 $0x2;
	s12 =	simm.s32 $0x0;
	s1 =	ssub.s32 $0x1000, s2  }
0x7: {  	s8 =	simm.s32 $0x8000;
	s13 =	simm.s32 $0x0;
	s3 =	sand.u32 $0xF80, s1  }
0x8: {  	s9 =	simm.s32 $0x0;
	s5 =	sshrl.u32 s1, $0xC;
	p0 =	sne.s32 s3, $0x0  }
.Ltmp0:
0x9: {  	s1 =	rddreg [dreg:$0x2];
	s4 =	simm.s32 @!p0 $0x0;
	(pc) =	sbr.rel .LBB1_1-.Ltmp0, $4  }
0xa: {  	s11 =	simm.s32 $0x0;
	s3 =	rddreg [dreg:$0x1];
	s5 =	sadd.s32 s4, s5  }
0xb: {  	_ =	strace $0x8000004D;
	s4 =	simm.s32 $0x1;
	s5 =	smul.u32 $0xC8, s5  }
0xc: {  	s6 =	sadd.s32 $0xC00, s6;
	s10 =	smov.u32 s2;
	[sflag:s4] =	ssyncpa.u1 $0x0  }
0xd: {  	p0 =	por $0x0, $0x0;
	[sflag:s7] =	ssyncpa.u1 $0x0;
	s7 =	sor.u32 $0x1, s5  }
.LBB1_4:
0xe: {  	s16 =	sshll.u32 s13, $0x3;
	s17 =	sand.u32 $0x78, s13  }
0xf: {  	s30 =	sand.u32 $0x7E00, s13;
	s12 =	sshll.u32 s12, $0xF;
	s16 =	sand.u32 $0xC00, s16  }
0x10: {  	[tilespmem:s15+$0x810 ss:$0x81] =	vst.msk $0xffff, v2;
	s31 =	sand.u32 $0x7, s13;
	s16 =	sor.u32 s17, s16;
	s17 =	sadd.s32 s3, s30  }
0x11: {  	[tilespmem:s15+$0x1020 ss:$0x81] =	vst.msk $0xffff, v0;
	s13 =	sshll.u32 s31, $0x12;
	s12 =	sadd.s32 s12, s17;
	s16 =	sshrl.u32 s16, $0x3  }
0x12: {  	[tilespmem:s15+$0x0 ss:$0x81] =	vst.msk $0xffff, v1;
	s13 =	sor.u32 $0x400, s13;
	s12 =	sadd.s32 s16, s12  }
0x13: {  	[hbm4b:s12+s13] =	stream.strided.scatter [tilespmem:s14], [sflag:$0x2], $0x2000, s8, s13, $0x20;
	[tilespmem:$0x8080] =	vst v63  }
.LBB1_5:
0x14: {  	s14 =	sadd.s32 $0x1, s9  }
0x15: {  	s12 =	sadd.s32 $0x1000, s10;
	s16 =	smov.u32 s10;
	p2 =	sgt.s32 s14, $0xC7  }
0x16: {  	s16 =	smov.u32 @p2 s12  }
0x17: {  	s14 =	simm.s32 @p2 $0x0;
	p2 =	sgt.s32 s16, $0xFFF  }
0x18: {  	s16 =	smov.u32 @p2 s2;
	p2 =	sne.s32 s11, s7  }
.Ltmp1:
0x19: {  	p1 =	slt.u32 s11, $0x2;
	(pc) =	sbr.rel @!p2 .LBB1_6-.Ltmp1, $4  }
0x1a: {  	s15 =	simm.s32 @!p1 $0x2  }
0x1b: {  	s13 =	smov.u32 s10;
	p0 =	por !p0, !p0;
	_ =	swait.ge @!p1 [sflag:s15], $0x2000  }
0x1c: {  	s12 =	smov.u32 s9;
	[sflag:s15] =	ssyncset.done @!p1 $0x0;
	s9 =	smov.u32 s14  }
0x1d: {  	s11 =	sadd.s32 $0x1, s11;
	[sflag:s15] =	ssyncadd.s32 @!p1 $0xFFFFE000;
	s10 =	smov.u32 s16  }
.LBB1_1:
0x1e: {  	p1 =	sge.u32 s11, s5  }
0x1f: {  	s14 =	sand.u32 @!p1 $0x1FFFFFF, s9  }
0x20: {  	s15 =	smulhi.u32 @!p1 $0x147AE15, s14;
	_ =	sdelay $0x1  }
0x21: {  	s15 =	smul.u32 @!p1 $0xC8, s15  }
0x22: {  	s16 =	sxor.u32 @!p1 $0xFFFFFFFF, s11;
	s17 =	smul.u32 @!p1 $0xC80, s10  }
0x23: {  	s31 =	sadd.s32 $0xFFFFFFFF, s11;
	s16 =	sshll.u32 @!p1 s16, $0xD;
	s14 =	ssub.s32 @!p1 s14, s15  }
0x24: {  	s15 =	sand.u32 @!p1 $0x2000, s16;
	s16 =	sadd.s32 @!p1 s6, s17;
	s14 =	sshll.u32 @!p1 s14, $0x4  }
0x25: {  	s17 =	simm.s32 @!p1 $0x6400;
	s14 =	sadd.s32 @!p1 s14, s16;
	s16 =	simm.s32 @!p1 $0x40  }
0x26: {  	[tilespmem:s15], [sflag:$0x1] =	stream.strided.gather @!p1 [hbm4b:s14+s16], $0x2000, s17, s16, $0x38;
	[tilespmem:$0x8080] =	vst v63  }
0x27: {  	p1 =	sge.u32 s31, s5  }
.Ltmp2:
0x28: {  	_ = 	snop;
	(pc) =	sbr.rel @p1 .LBB1_5-.Ltmp2, $1  }
0x29: {  	_ =	sdelay $0x3  }
0x2a: {  	s14 =	simm.s32 $0x1  }
0x2b: {  	_ =	swait.ge [sflag:s4], $0x2000;
	s14 =	simm.s32 @!p0 $0x0  }
0x2c: {  	[sflag:s4] =	ssyncset.done $0x0;
	s15 =	sshll.u32 s14, $0xD  }
0x2d: {  	[sflag:s4] =	ssyncadd.s32 $0xFFFFE000;
	s18 =	sor.u32 $0x20, s15  }
0x2e: {  	s14 =	smul.u32 $0x8100, s14;
	v3 =	vld [tilespmem:s18+$0x10]  }
0x2f: {  	s30 =	sand.u32 $0x1, s11;
	v2 =	vld [tilespmem:s18+$0xFFFFFFF0]  }
0x30: {  	s15 =	smul.u32 $0x8100, s30;
	s14 =	sshrl.u32 s14, $0x2;
	v0 =	vld [tilespmem:s18+$0x0]  }
0x31: {  	v1 =	vld [tilespmem:s18+$0xFFFFFFE0];
	s16 =	sor.u32 $0x4000, s14  }
0x32: {  	s31 =	sshrl.u32 s15, $0x2;
	s15 =	sadd.s32 $0x0, s16  }
0x33: {  	s17 =	simm.s32 $0x4;
	s18 =	sadd.s32 $0x40, s18;
	s14 =	sor.u32 $0x4000, s31;
	[tilespmem:s15+$0x1830 ss:$0x81] =	vst.msk $0xffff, v3  }
.LBB1_3:
0x34: {  	v3 =	vld [tilespmem:s18+$0x10];
	p1 =	sne.s32 s17, $0x1FC;
	[tilespmem:s15+$0x810 ss:$0x81] =	vst.msk $0xffff, v2;
	s19 =	smov.u32 s17;
	s17 =	sadd.s32 $0x4, s17  }
.Ltmp3:
0x35: {  	v2 =	vld [tilespmem:s18+$0xFFFFFFF0];
	[tilespmem:s15+$0x1020 ss:$0x81] =	vst.msk $0xffff, v0;
	(pc) =	sbr.rel @p1 .LBB1_3-.Ltmp3, $4  }
0x36: {  	v0 =	vld [tilespmem:s18+$0x0];
	[tilespmem:s15+$0x0 ss:$0x81] =	vst.msk $0xffff, v1  }
0x37: {  	s15 =	sshra.s32 s19, $0x2;
	v1 =	vld [tilespmem:s18+$0xFFFFFFE0]  }
0x38: {  	s15 =	sadd.s32 s15, s16  }
0x39: {  	s18 =	sadd.s32 $0x40, s18;
	[tilespmem:s15+$0x1830 ss:$0x81] =	vst.msk $0xffff, v3  }
.Ltmp4:
0x3a: {  	_ = 	snop;
	(pc) =	sbr.rel .LBB1_4-.Ltmp4, $1  }
0x3b: {  	_ =	sdelay $0x3  }
.LBB1_6:
0x3c: {  	_ =	sfence.sel $0x180000  }
0x3d: {  	s2 =	simm.s32 $0x1;
	[bflag:$0x0] =	sbarrier.arrive $0xFFFF  }
0x3e: {  	s31 =	simm.s32 $0x2;
	[sflag:s2] =	ssyncpa.u1 $0x1  }
0x3f: {  	[sflag:s31] =	ssyncpa.u1 $0x1  }
0x40: {  	p0 =	sne.s32 s0, $0x0;
	_ =	strace $0x9000004D  }
0x41: {  	s0 =	sadd.s32 @!p0 $0x100000, s1;
	[bflag:$0x2] =	sbarrier.arrive $0xFFFF  }
0x42: {  	[sflag:s0] =	ssyncadd.tile.s32 @!p0 $0x1;
	_ =	shalt  }
.Lfunc_end1:
_tile_overlayer_lowered:
.L_overlay_start_2:
0x43: {  	(tag) =	ssettag $0x2  }
0x44: {  	s0 =	rddreg [dreg:$0x0];
	s2 =	stileid.u32  }
0x45: {  	s1 =	rddreg [dreg:$0x1];
	p0 =	sne.s32 s2, $0x0  }
0x46: {  	s3 =	rddreg [dreg:$0x2];
	[bflag:$0x3] =	sbarrier.arrive $0xFFFF;
	s2 =	simm.s32 @!p0 $0x1C01  }
0x47: {  	[timem:s3], [sflag:s2] =	dma.local @!p0 [hbm:s0], s1  }
0x48: {  	s0 =	simm.s32 @!p0 $0x1  }
0x49: {  	_ =	swait.ge @!p0 [sflag:s0], s1  }
0x4a: {  	s1 =	ssub.s32 @!p0 $0x0, s1;
	[sflag:s0] =	ssyncset.done @!p0 $0x0  }
0x4b: {  	[sflag:s0] =	ssyncadd.s32 @!p0 s1  }
0x4c: {  	[bflag:$0x3] =	sbarrier.arrive $0xFFFF  }
0x4d: {  	_ =	shalt  }

</sc_bundles>
